<compile_context>
chip_gen: v7x
topology: tpu7x:2x2x1
jax: 0.10.2.dev20260603
libtpu: 0.0.44.dev20260713+nightly
codegen_flags: <defaults>
</compile_context>

<pallas_src>
import functools

import jax
import jax.numpy as jnp
from jax import lax
from jax.experimental import pallas as pl
from jax.experimental.pallas import tpu as pltpu
from jax.experimental.pallas import tpu_sc as plsc

NC, NS = 2, 16
NW = NC * NS
TOK = 128
L = 16


def _emb_kernel(n_b1, idx_hbm, table_hbm, out_hbm,
                idx_v, rows_v, trows_v, gsem, osem):
    wid = lax.axis_index("s") * NC + lax.axis_index("c")
    b0w = wid * TOK

    pltpu.sync_copy(idx_hbm.at[:, wid], idx_v)

    def gather(b1, buf):
        return pltpu.make_async_copy(
            table_hbm.at[idx_v.at[b1]], rows_v.at[buf], gsem.at[buf])

    def put(b1, buf):
        return pltpu.make_async_copy(
            trows_v.at[buf], out_hbm.at[b1, :, pl.ds(b0w, TOK)],
            osem.at[buf])

    gather(0, 0).start()
    gather(1, 1).start()

    iot = lax.iota(jnp.int32, L)
    rt = [iot + t0 for t0 in range(0, TOK, L)]

    def transpose(buf):
        rows = rows_v.at[buf]
        trows = trows_v.at[buf]
        def kbody(k, _):
            pk = (iot + k) & (L - 1)
            for dblk in range(64 // L):
                cd = pk + dblk * L
                for j in range(TOK // L):
                    v = plsc.load_gather(rows, [rt[j], cd])
                    plsc.store_scatter(trows, [cd, rt[j]], v)
            return 0

        lax.fori_loop(0, L, kbody, 0)

    def body(b1, _):
        buf = lax.rem(b1, 3)
        gather(b1, buf).wait()

        @pl.when(b1 + 2 < n_b1)
        def _():
            gather(b1 + 2, lax.rem(b1 + 2, 3)).start()

        @pl.when(b1 >= 3)
        def _():
            put(b1 - 3, buf).wait()

        transpose(buf)
        put(b1, buf).start()
        return 0

    lax.fori_loop(0, n_b1, body, 0)
    put(n_b1 - 3, lax.rem(n_b1 - 3, 3)).wait()
    put(n_b1 - 2, lax.rem(n_b1 - 2, 3)).wait()
    put(n_b1 - 1, lax.rem(n_b1 - 1, 3)).wait()


@jax.jit
def kernel(indices, weight):
    B0, B1 = indices.shape
    V, D = weight.shape

    wp = jnp.pad(weight, ((0, 0), (0, 128 - D)))
    idxT = indices.astype(jnp.int32).T.reshape(B1, NW, TOK)
    mesh = plsc.VectorSubcoreMesh(core_axis_name="c", subcore_axis_name="s")

    out = pl.kernel(
        functools.partial(_emb_kernel, B1),
        out_type=jax.ShapeDtypeStruct((B1, D, B0), jnp.float32),
        mesh=mesh,
        compiler_params=pltpu.CompilerParams(use_tc_tiling_on_sc=True, needs_layout_passes=False),
        scratch_types=[
            pltpu.VMEM((B1, TOK), jnp.int32),
            pltpu.VMEM((3, TOK, 128), jnp.float32),
            pltpu.VMEM((3, D, TOK), jnp.float32),
            pltpu.SemaphoreType.DMA((3,)),
            pltpu.SemaphoreType.DMA((3,)),
        ],
    )(idxT, wp)
    return jnp.transpose(out, (2, 0, 1))

# --- scband reference (transcript-rebuilt; emitter-appended) ---
"""Pipeline reference for scband-manual-embedding-40827959116406 (READ-ONLY COPY).

The authoritative reference and input builder live on the scoring server;
editing this copy changes nothing except your own understanding.
"""

import jax, jax.numpy as jnp
import numpy as np

NUM_EMBEDDINGS = 100000
EMBEDDING_DIM = 64
PADDING_IDX = 0

def setup_inputs(seed: int = 0) -> dict:
    key = jax.random.key(seed)
    k1, k2 = jax.random.split(key)
    indices = jax.random.randint(k1, (4096, 50), 0, NUM_EMBEDDINGS, dtype=jnp.int64 if jax.config.jax_enable_x64 else jnp.int32)
    weight = jax.random.normal(k2, (NUM_EMBEDDINGS, EMBEDDING_DIM), dtype=jnp.float32)
    # zero out padding row per padding_idx semantics
    weight = weight.at[PADDING_IDX].set(0.0)
    return {"indices": indices, "weight": weight}

def reference(indices, weight):
    # Faithful manual embedding: gather rows of the table by index.
    return jnp.take(weight, indices, axis=0)

if __name__ == "__main__":
    import jax
    _d = setup_inputs()
    print(jax.jit(kernel)(*tuple(_d.values())))

</pallas_src>

<mosaic_0001>
#map = affine_map<(d0, d1) -> (0, 0, 0)>
#map1 = affine_map<(d0, d1) -> (0, 0)>
module attributes {stable_mosaic.version = 14 : i64} {
  func.func @_emb_kernel(%arg0: i32, %arg1: i32, %arg2: memref<50x32x128xi32, #tpu.memory_space<hbm>>, %arg3: memref<100000x128xf32, #tpu.memory_space<hbm>>, %arg4: memref<50x64x4096xf32, #tpu.memory_space<hbm>>, %arg5: memref<50x128xi32, #tpu.memory_space<vmem>>, %arg6: memref<3x128x128xf32, #tpu.memory_space<vmem>>, %arg7: memref<3x64x128xf32, #tpu.memory_space<vmem>>, %arg8: memref<3x!tpu.dma_semaphore, #tpu.memory_space<semaphore_mem>>, %arg9: memref<3x!tpu.dma_semaphore, #tpu.memory_space<semaphore_mem>>) attributes {dimension_semantics = [#tpu.dimension_semantics<core_parallel>, #tpu.dimension_semantics<subcore_parallel>], iteration_bounds = array<i64: 2, 16>, scalar_prefetch = 0 : i64, scratch_operands = 5 : i64, tpu.core_type = #tpu.core_type<sc_vector_subcore>, window_params = [{transform_indices = #map}, {transform_indices = #map1}, {transform_indices = #map}]} {
    %mul3A = arith.constant 2 : i32
    %mul3A_0 = arith.muli %arg1, %mul3A : i32
    %add3A = arith.addi %mul3A_0, %arg0 : i32
    %mul3A_1 = arith.constant 128 : i32
    %mul3A_2 = arith.muli %add3A, %mul3A_1 : i32
    "tpu.region"() ({
      %run_scoped3A = tpu.sem_alloc : memref<!tpu.dma_semaphore, #tpu.memory_space<semaphore_mem>>
      %dma_start3A_120 = arith.constant 0 : i32
      %dma_start3A_121 = arith.constant 0 : i32
      %dma_start3A_122 = tpu.memref_slice %arg2[%dma_start3A_120, %add3A, %dma_start3A_121] : memref<50x32x128xi32, #tpu.memory_space<hbm>> -> memref<50x1x128xi32, #tpu.memory_space<hbm>>
      %dma_start3A_123 = tpu.memref_squeeze %dma_start3A_122 : memref<50x1x128xi32, #tpu.memory_space<hbm>> -> memref<50x128xi32, #tpu.memory_space<hbm>>
      %dma_start3A_124 = arith.constant 0 : i32
      %dma_start3A_125 = arith.constant 0 : i32
      %dma_start3A_126 = tpu.memref_slice %arg2[%dma_start3A_124, %add3A, %dma_start3A_125] : memref<50x32x128xi32, #tpu.memory_space<hbm>> -> memref<50x1x128xi32, #tpu.memory_space<hbm>>
      %dma_start3A_127 = tpu.memref_squeeze %dma_start3A_126 : memref<50x1x128xi32, #tpu.memory_space<hbm>> -> memref<50x128xi32, #tpu.memory_space<hbm>>
      tpu.enqueue_dma source(%dma_start3A_127 : memref<50x128xi32, #tpu.memory_space<hbm>>) target(%arg5 : memref<50x128xi32, #tpu.memory_space<vmem>>) target_semaphore(%run_scoped3A : memref<!tpu.dma_semaphore, #tpu.memory_space<semaphore_mem>>)
      %dma_wait3A_128 = arith.constant 0 : i32
      %dma_wait3A_129 = arith.constant 0 : i32
      %dma_wait3A_130 = tpu.memref_slice %arg2[%dma_wait3A_128, %add3A, %dma_wait3A_129] : memref<50x32x128xi32, #tpu.memory_space<hbm>> -> memref<50x1x128xi32, #tpu.memory_space<hbm>>
      %dma_wait3A_131 = tpu.memref_squeeze %dma_wait3A_130 : memref<50x1x128xi32, #tpu.memory_space<hbm>> -> memref<50x128xi32, #tpu.memory_space<hbm>>
      %dma_wait3A_132 = arith.constant 0 : i32
      %dma_wait3A_133 = arith.constant 0 : i32
      %dma_wait3A_134 = tpu.memref_slice %arg2[%dma_wait3A_132, %add3A, %dma_wait3A_133] : memref<50x32x128xi32, #tpu.memory_space<hbm>> -> memref<50x1x128xi32, #tpu.memory_space<hbm>>
      %dma_wait3A_135 = tpu.memref_squeeze %dma_wait3A_134 : memref<50x1x128xi32, #tpu.memory_space<hbm>> -> memref<50x128xi32, #tpu.memory_space<hbm>>
      tpu.wait_dma2 semaphore(%run_scoped3A : memref<!tpu.dma_semaphore, #tpu.memory_space<semaphore_mem>>) src(%dma_wait3A_135 : memref<50x128xi32, #tpu.memory_space<hbm>>) dst(%arg5 : memref<50x128xi32, #tpu.memory_space<vmem>>)
      tpu.yield
    }) : () -> ()
    %dma_start3A = arith.constant 0 : i32
    %dma_start3A_3 = arith.constant 0 : i32
    %dma_start3A_4 = arith.constant 0 : i32
    %dma_start3A_5 = arith.constant 0 : i32
    %dma_start3A_6 = arith.constant 0 : i32
    %dma_start3A_7 = tpu.memref_slice %arg6[%dma_start3A_3, %dma_start3A_5, %dma_start3A_6] : memref<3x128x128xf32, #tpu.memory_space<vmem>> -> memref<1x128x128xf32, #tpu.memory_space<vmem>>
    %dma_start3A_8 = tpu.memref_squeeze %dma_start3A_7 : memref<1x128x128xf32, #tpu.memory_space<vmem>> -> memref<128x128xf32, #tpu.memory_space<vmem>>
    %dma_start3A_9 = arith.constant 0 : i32
    %dma_start3A_10 = tpu.memref_slice %arg5[%dma_start3A, %dma_start3A_9] : memref<50x128xi32, #tpu.memory_space<vmem>> -> memref<1x128xi32, #tpu.memory_space<vmem>>
    %dma_start3A_11 = tpu.memref_squeeze %dma_start3A_10 : memref<1x128xi32, #tpu.memory_space<vmem>> -> memref<128xi32, #tpu.memory_space<vmem>>
    %dma_start3A_12 = arith.constant 0 : i32
    %dma_start3A_13 = arith.constant 0 : i32
    %dma_start3A_14 = tpu.memref_slice %arg3[%dma_start3A_12, %dma_start3A_13] : memref<100000x128xf32, #tpu.memory_space<hbm>> -> memref<100000x128xf32, #tpu.memory_space<hbm>>
    %dma_start3A_15 = tpu.memref_slice %arg8[%dma_start3A_4] : memref<3x!tpu.dma_semaphore, #tpu.memory_space<semaphore_mem>> -> memref<1x!tpu.dma_semaphore, #tpu.memory_space<semaphore_mem>>
    %dma_start3A_16 = tpu.memref_squeeze %dma_start3A_15 : memref<1x!tpu.dma_semaphore, #tpu.memory_space<semaphore_mem>> -> memref<!tpu.dma_semaphore, #tpu.memory_space<semaphore_mem>>
    tpu.enqueue_indirect_dma source(%dma_start3A_14 : memref<100000x128xf32, #tpu.memory_space<hbm>>) target(%dma_start3A_8 : memref<128x128xf32, #tpu.memory_space<vmem>>) offsets(%dma_start3A_11 : memref<128xi32, #tpu.memory_space<vmem>>) semaphore(%dma_start3A_16 : memref<!tpu.dma_semaphore, #tpu.memory_space<semaphore_mem>>)
    %dma_start3A_17 = arith.constant 1 : i32
    %dma_start3A_18 = arith.constant 1 : i32
    %dma_start3A_19 = arith.constant 1 : i32
    %dma_start3A_20 = arith.constant 0 : i32
    %dma_start3A_21 = arith.constant 0 : i32
    %dma_start3A_22 = tpu.memref_slice %arg6[%dma_start3A_18, %dma_start3A_20, %dma_start3A_21] : memref<3x128x128xf32, #tpu.memory_space<vmem>> -> memref<1x128x128xf32, #tpu.memory_space<vmem>>
    %dma_start3A_23 = tpu.memref_squeeze %dma_start3A_22 : memref<1x128x128xf32, #tpu.memory_space<vmem>> -> memref<128x128xf32, #tpu.memory_space<vmem>>
    %dma_start3A_24 = arith.constant 0 : i32
    %dma_start3A_25 = tpu.memref_slice %arg5[%dma_start3A_17, %dma_start3A_24] : memref<50x128xi32, #tpu.memory_space<vmem>> -> memref<1x128xi32, #tpu.memory_space<vmem>>
    %dma_start3A_26 = tpu.memref_squeeze %dma_start3A_25 : memref<1x128xi32, #tpu.memory_space<vmem>> -> memref<128xi32, #tpu.memory_space<vmem>>
    %dma_start3A_27 = arith.constant 0 : i32
    %dma_start3A_28 = arith.constant 0 : i32
    %dma_start3A_29 = tpu.memref_slice %arg3[%dma_start3A_27, %dma_start3A_28] : memref<100000x128xf32, #tpu.memory_space<hbm>> -> memref<100000x128xf32, #tpu.memory_space<hbm>>
    %dma_start3A_30 = tpu.memref_slice %arg8[%dma_start3A_19] : memref<3x!tpu.dma_semaphore, #tpu.memory_space<semaphore_mem>> -> memref<1x!tpu.dma_semaphore, #tpu.memory_space<semaphore_mem>>
    %dma_start3A_31 = tpu.memref_squeeze %dma_start3A_30 : memref<1x!tpu.dma_semaphore, #tpu.memory_space<semaphore_mem>> -> memref<!tpu.dma_semaphore, #tpu.memory_space<semaphore_mem>>
    tpu.enqueue_indirect_dma source(%dma_start3A_29 : memref<100000x128xf32, #tpu.memory_space<hbm>>) target(%dma_start3A_23 : memref<128x128xf32, #tpu.memory_space<vmem>>) offsets(%dma_start3A_26 : memref<128xi32, #tpu.memory_space<vmem>>) semaphore(%dma_start3A_31 : memref<!tpu.dma_semaphore, #tpu.memory_space<semaphore_mem>>)
    %iota3A = tpu.iota {dimensions = array<i32: 0>} : vector<16xi32>
    %add3A_32 = arith.constant 0 : i32
    %add3A_33 = vector.broadcast %add3A_32 : i32 to vector<16xi32>
    %add3A_34 = arith.addi %iota3A, %add3A_33 : vector<16xi32>
    %add3A_35 = arith.constant 16 : i32
    %add3A_36 = vector.broadcast %add3A_35 : i32 to vector<16xi32>
    %add3A_37 = arith.addi %iota3A, %add3A_36 : vector<16xi32>
    %add3A_38 = arith.constant 32 : i32
    %add3A_39 = vector.broadcast %add3A_38 : i32 to vector<16xi32>
    %add3A_40 = arith.addi %iota3A, %add3A_39 : vector<16xi32>
    %add3A_41 = arith.constant 48 : i32
    %add3A_42 = vector.broadcast %add3A_41 : i32 to vector<16xi32>
    %add3A_43 = arith.addi %iota3A, %add3A_42 : vector<16xi32>
    %add3A_44 = arith.constant 64 : i32
    %add3A_45 = vector.broadcast %add3A_44 : i32 to vector<16xi32>
    %add3A_46 = arith.addi %iota3A, %add3A_45 : vector<16xi32>
    %add3A_47 = arith.constant 80 : i32
    %add3A_48 = vector.broadcast %add3A_47 : i32 to vector<16xi32>
    %add3A_49 = arith.addi %iota3A, %add3A_48 : vector<16xi32>
    %add3A_50 = arith.constant 96 : i32
    %add3A_51 = vector.broadcast %add3A_50 : i32 to vector<16xi32>
    %add3A_52 = arith.addi %iota3A, %add3A_51 : vector<16xi32>
    %add3A_53 = arith.constant 112 : i32
    %add3A_54 = vector.broadcast %add3A_53 : i32 to vector<16xi32>
    %add3A_55 = arith.addi %iota3A, %add3A_54 : vector<16xi32>
    %scan3A = arith.constant 0 : i32
    %scan3A_56 = arith.constant 0 : i32
    %scan3A_57 = arith.constant 50 : i32
    %scan3A_58 = arith.addi %scan3A_56, %scan3A_57 : i32
    %scan3A_59 = arith.constant 1 : i32
    %scan3A_60 = scf.for %scan3A_120 = %scan3A_56 to %scan3A_58 step %scan3A_59 iter_args(%scan3A_121 = %scan3A) -> (i32)  : i32 {
      %rem3A_122 = arith.constant 3 : i32
      %rem3A_123 = arith.remsi %scan3A_120, %rem3A_122 : i32
      %dma_wait3A_124 = arith.constant 0 : i32
      %dma_wait3A_125 = arith.constant 0 : i32
      %dma_wait3A_126 = tpu.memref_slice %arg6[%rem3A_123, %dma_wait3A_124, %dma_wait3A_125] : memref<3x128x128xf32, #tpu.memory_space<vmem>> -> memref<1x128x128xf32, #tpu.memory_space<vmem>>
      %dma_wait3A_127 = tpu.memref_squeeze %dma_wait3A_126 : memref<1x128x128xf32, #tpu.memory_space<vmem>> -> memref<128x128xf32, #tpu.memory_space<vmem>>
      %dma_wait3A_128 = arith.constant 0 : i32
      %dma_wait3A_129 = tpu.memref_slice %arg5[%scan3A_120, %dma_wait3A_128] : memref<50x128xi32, #tpu.memory_space<vmem>> -> memref<1x128xi32, #tpu.memory_space<vmem>>
      %dma_wait3A_130 = tpu.memref_squeeze %dma_wait3A_129 : memref<1x128xi32, #tpu.memory_space<vmem>> -> memref<128xi32, #tpu.memory_space<vmem>>
      %dma_wait3A_131 = arith.constant 0 : i32
      %dma_wait3A_132 = arith.constant 0 : i32
      %dma_wait3A_133 = tpu.memref_slice %arg3[%dma_wait3A_131, %dma_wait3A_132] : memref<100000x128xf32, #tpu.memory_space<hbm>> -> memref<100000x128xf32, #tpu.memory_space<hbm>>
      %dma_wait3A_134 = tpu.memref_slice %arg8[%rem3A_123] : memref<3x!tpu.dma_semaphore, #tpu.memory_space<semaphore_mem>> -> memref<1x!tpu.dma_semaphore, #tpu.memory_space<semaphore_mem>>
      %dma_wait3A_135 = tpu.memref_squeeze %dma_wait3A_134 : memref<1x!tpu.dma_semaphore, #tpu.memory_space<semaphore_mem>> -> memref<!tpu.dma_semaphore, #tpu.memory_space<semaphore_mem>>
      tpu.wait_indirect_dma semaphore(%dma_wait3A_135 : memref<!tpu.dma_semaphore, #tpu.memory_space<semaphore_mem>>) src(%dma_wait3A_133 : memref<100000x128xf32, #tpu.memory_space<hbm>>) dst(%dma_wait3A_127 : memref<128x128xf32, #tpu.memory_space<vmem>>)
      %add3A_136 = arith.constant 2 : i32
      %add3A_137 = arith.addi %scan3A_120, %add3A_136 : i32
      %lt3A = arith.constant 50 : i32
      %lt3A_138 = arith.cmpi slt, %add3A_137, %lt3A : i32
      %convert_element_type3A = arith.extui %lt3A_138 : i1 to i32
      %cond3A = arith.constant 0 : i32
      %cond3A_139 = arith.cmpi ne, %convert_element_type3A, %cond3A : i32
      scf.if %cond3A_139 {
        %add3A_168 = arith.constant 2 : i32
        %add3A_169 = arith.addi %scan3A_120, %add3A_168 : i32
        %add3A_170 = arith.constant 2 : i32
        %add3A_171 = arith.addi %scan3A_120, %add3A_170 : i32
        %rem3A_172 = arith.constant 3 : i32
        %rem3A_173 = arith.remsi %add3A_171, %rem3A_172 : i32
        %dma_start3A_174 = arith.constant 0 : i32
        %dma_start3A_175 = arith.constant 0 : i32
        %dma_start3A_176 = tpu.memref_slice %arg6[%rem3A_173, %dma_start3A_174, %dma_start3A_175] : memref<3x128x128xf32, #tpu.memory_space<vmem>> -> memref<1x128x128xf32, #tpu.memory_space<vmem>>
        %dma_start3A_177 = tpu.memref_squeeze %dma_start3A_176 : memref<1x128x128xf32, #tpu.memory_space<vmem>> -> memref<128x128xf32, #tpu.memory_space<vmem>>
        %dma_start3A_178 = arith.constant 0 : i32
        %dma_start3A_179 = tpu.memref_slice %arg5[%add3A_169, %dma_start3A_178] : memref<50x128xi32, #tpu.memory_space<vmem>> -> memref<1x128xi32, #tpu.memory_space<vmem>>
        %dma_start3A_180 = tpu.memref_squeeze %dma_start3A_179 : memref<1x128xi32, #tpu.memory_space<vmem>> -> memref<128xi32, #tpu.memory_space<vmem>>
        %dma_start3A_181 = arith.constant 0 : i32
        %dma_start3A_182 = arith.constant 0 : i32
        %dma_start3A_183 = tpu.memref_slice %arg3[%dma_start3A_181, %dma_start3A_182] : memref<100000x128xf32, #tpu.memory_space<hbm>> -> memref<100000x128xf32, #tpu.memory_space<hbm>>
        %dma_start3A_184 = tpu.memref_slice %arg8[%rem3A_173] : memref<3x!tpu.dma_semaphore, #tpu.memory_space<semaphore_mem>> -> memref<1x!tpu.dma_semaphore, #tpu.memory_space<semaphore_mem>>
        %dma_start3A_185 = tpu.memref_squeeze %dma_start3A_184 : memref<1x!tpu.dma_semaphore, #tpu.memory_space<semaphore_mem>> -> memref<!tpu.dma_semaphore, #tpu.memory_space<semaphore_mem>>
        tpu.enqueue_indirect_dma source(%dma_start3A_183 : memref<100000x128xf32, #tpu.memory_space<hbm>>) target(%dma_start3A_177 : memref<128x128xf32, #tpu.memory_space<vmem>>) offsets(%dma_start3A_180 : memref<128xi32, #tpu.memory_space<vmem>>) semaphore(%dma_start3A_185 : memref<!tpu.dma_semaphore, #tpu.memory_space<semaphore_mem>>)
      } else {
      }
      %ge3A = arith.constant 3 : i32
      %ge3A_140 = arith.cmpi sge, %scan3A_120, %ge3A : i32
      %convert_element_type3A_141 = arith.extui %ge3A_140 : i1 to i32
      %cond3A_142 = arith.constant 0 : i32
      %cond3A_143 = arith.cmpi ne, %convert_element_type3A_141, %cond3A_142 : i32
      scf.if %cond3A_143 {
        %sub3A = arith.constant 3 : i32
        %sub3A_168 = arith.subi %scan3A_120, %sub3A : i32
        %dma_wait3A_169 = arith.constant 0 : i32
        %dma_wait3A_170 = arith.constant 0 : i32
        %dma_wait3A_171 = tpu.memref_slice %arg7[%rem3A_123, %dma_wait3A_169, %dma_wait3A_170] : memref<3x64x128xf32, #tpu.memory_space<vmem>> -> memref<1x64x128xf32, #tpu.memory_space<vmem>>
        %dma_wait3A_172 = tpu.memref_squeeze %dma_wait3A_171 : memref<1x64x128xf32, #tpu.memory_space<vmem>> -> memref<64x128xf32, #tpu.memory_space<vmem>>
        %dma_wait3A_173 = arith.constant 0 : i32
        %dma_wait3A_174 = tpu.memref_slice %arg4[%sub3A_168, %dma_wait3A_173, %mul3A_2] : memref<50x64x4096xf32, #tpu.memory_space<hbm>> -> memref<1x64x128xf32, #tpu.memory_space<hbm>>
        %dma_wait3A_175 = tpu.memref_squeeze %dma_wait3A_174 : memref<1x64x128xf32, #tpu.memory_space<hbm>> -> memref<64x128xf32, #tpu.memory_space<hbm>>
        %dma_wait3A_176 = tpu.memref_slice %arg9[%rem3A_123] : memref<3x!tpu.dma_semaphore, #tpu.memory_space<semaphore_mem>> -> memref<1x!tpu.dma_semaphore, #tpu.memory_space<semaphore_mem>>
        %dma_wait3A_177 = tpu.memref_squeeze %dma_wait3A_176 : memref<1x!tpu.dma_semaphore, #tpu.memory_space<semaphore_mem>> -> memref<!tpu.dma_semaphore, #tpu.memory_space<semaphore_mem>>
        %dma_wait3A_178 = arith.constant 0 : i32
        %dma_wait3A_179 = tpu.memref_slice %arg4[%sub3A_168, %dma_wait3A_178, %mul3A_2] : memref<50x64x4096xf32, #tpu.memory_space<hbm>> -> memref<1x64x128xf32, #tpu.memory_space<hbm>>
        %dma_wait3A_180 = tpu.memref_squeeze %dma_wait3A_179 : memref<1x64x128xf32, #tpu.memory_space<hbm>> -> memref<64x128xf32, #tpu.memory_space<hbm>>
        %dma_wait3A_181 = arith.constant 0 : i32
        %dma_wait3A_182 = arith.constant 0 : i32
        %dma_wait3A_183 = tpu.memref_slice %arg7[%rem3A_123, %dma_wait3A_181, %dma_wait3A_182] : memref<3x64x128xf32, #tpu.memory_space<vmem>> -> memref<1x64x128xf32, #tpu.memory_space<vmem>>
        %dma_wait3A_184 = tpu.memref_squeeze %dma_wait3A_183 : memref<1x64x128xf32, #tpu.memory_space<vmem>> -> memref<64x128xf32, #tpu.memory_space<vmem>>
        tpu.wait_dma2 semaphore(%dma_wait3A_177 : memref<!tpu.dma_semaphore, #tpu.memory_space<semaphore_mem>>) src(%dma_wait3A_184 : memref<64x128xf32, #tpu.memory_space<vmem>>) dst(%dma_wait3A_180 : memref<64x128xf32, #tpu.memory_space<hbm>>)
      } else {
      }
      %scan3A_144 = arith.constant 0 : i32
      %scan3A_145 = arith.constant 0 : i32
      %scan3A_146 = arith.constant 16 : i32
      %scan3A_147 = arith.addi %scan3A_145, %scan3A_146 : i32
      %scan3A_148 = arith.constant 1 : i32
      %scan3A_149 = scf.for %scan3A_168 = %scan3A_145 to %scan3A_147 step %scan3A_148 iter_args(%scan3A_169 = %scan3A_144) -> (i32)  : i32 {
        %add3A_170 = vector.broadcast %scan3A_168 : i32 to vector<16xi32>
        %add3A_171 = arith.addi %iota3A, %add3A_170 : vector<16xi32>
        %and3A = arith.constant 15 : i32
        %and3A_172 = vector.broadcast %and3A : i32 to vector<16xi32>
        %and3A_173 = arith.andi %add3A_171, %and3A_172 : vector<16xi32>
        %add3A_174 = arith.constant 0 : i32
        %add3A_175 = vector.broadcast %add3A_174 : i32 to vector<16xi32>
        %add3A_176 = arith.addi %and3A_173, %add3A_175 : vector<16xi32>
        %gather3A = arith.constant 0 : i32
        %gather3A_177 = arith.constant 0 : i32
        %gather3A_178 = tpu.memref_slice %arg6[%rem3A_123, %gather3A, %gather3A_177] : memref<3x128x128xf32, #tpu.memory_space<vmem>> -> memref<1x128x128xf32, #tpu.memory_space<vmem>>
        %gather3A_179 = tpu.memref_squeeze %gather3A_178 : memref<1x128x128xf32, #tpu.memory_space<vmem>> -> memref<128x128xf32, #tpu.memory_space<vmem>>
        %gather3A_180 = tpu.vector_load_idx %gather3A_179[%add3A_34, %add3A_176] : memref<128x128xf32, #tpu.memory_space<vmem>>[vector<16xi32>, vector<16xi32>], vector<16xf32>,
        %scatter3A = arith.constant 0 : i32
        %scatter3A_181 = arith.constant 0 : i32
        %scatter3A_182 = tpu.memref_slice %arg7[%rem3A_123, %scatter3A, %scatter3A_181] : memref<3x64x128xf32, #tpu.memory_space<vmem>> -> memref<1x64x128xf32, #tpu.memory_space<vmem>>
        %scatter3A_183 = tpu.memref_squeeze %scatter3A_182 : memref<1x64x128xf32, #tpu.memory_space<vmem>> -> memref<64x128xf32, #tpu.memory_space<vmem>>
        tpu.vector_store_idx %scatter3A_183[%add3A_176, %add3A_34], %gather3A_180 : memref<64x128xf32, #tpu.memory_space<vmem>>[vector<16xi32>, vector<16xi32>], vector<16xf32>,
        %gather3A_184 = arith.constant 0 : i32
        %gather3A_185 = arith.constant 0 : i32
        %gather3A_186 = tpu.memref_slice %arg6[%rem3A_123, %gather3A_184, %gather3A_185] : memref<3x128x128xf32, #tpu.memory_space<vmem>> -> memref<1x128x128xf32, #tpu.memory_space<vmem>>
        %gather3A_187 = tpu.memref_squeeze %gather3A_186 : memref<1x128x128xf32, #tpu.memory_space<vmem>> -> memref<128x128xf32, #tpu.memory_space<vmem>>
        %gather3A_188 = tpu.vector_load_idx %gather3A_187[%add3A_37, %add3A_176] : memref<128x128xf32, #tpu.memory_space<vmem>>[vector<16xi32>, vector<16xi32>], vector<16xf32>,
        %scatter3A_189 = arith.constant 0 : i32
        %scatter3A_190 = arith.constant 0 : i32
        %scatter3A_191 = tpu.memref_slice %arg7[%rem3A_123, %scatter3A_189, %scatter3A_190] : memref<3x64x128xf32, #tpu.memory_space<vmem>> -> memref<1x64x128xf32, #tpu.memory_space<vmem>>
        %scatter3A_192 = tpu.memref_squeeze %scatter3A_191 : memref<1x64x128xf32, #tpu.memory_space<vmem>> -> memref<64x128xf32, #tpu.memory_space<vmem>>
        tpu.vector_store_idx %scatter3A_192[%add3A_176, %add3A_37], %gather3A_188 : memref<64x128xf32, #tpu.memory_space<vmem>>[vector<16xi32>, vector<16xi32>], vector<16xf32>,
        %gather3A_193 = arith.constant 0 : i32
        %gather3A_194 = arith.constant 0 : i32
        %gather3A_195 = tpu.memref_slice %arg6[%rem3A_123, %gather3A_193, %gather3A_194] : memref<3x128x128xf32, #tpu.memory_space<vmem>> -> memref<1x128x128xf32, #tpu.memory_space<vmem>>
        %gather3A_196 = tpu.memref_squeeze %gather3A_195 : memref<1x128x128xf32, #tpu.memory_space<vmem>> -> memref<128x128xf32, #tpu.memory_space<vmem>>
        %gather3A_197 = tpu.vector_load_idx %gather3A_196[%add3A_40, %add3A_176] : memref<128x128xf32, #tpu.memory_space<vmem>>[vector<16xi32>, vector<16xi32>], vector<16xf32>,
        %scatter3A_198 = arith.constant 0 : i32
        %scatter3A_199 = arith.constant 0 : i32
        %scatter3A_200 = tpu.memref_slice %arg7[%rem3A_123, %scatter3A_198, %scatter3A_199] : memref<3x64x128xf32, #tpu.memory_space<vmem>> -> memref<1x64x128xf32, #tpu.memory_space<vmem>>
        %scatter3A_201 = tpu.memref_squeeze %scatter3A_200 : memref<1x64x128xf32, #tpu.memory_space<vmem>> -> memref<64x128xf32, #tpu.memory_space<vmem>>
        tpu.vector_store_idx %scatter3A_201[%add3A_176, %add3A_40], %gather3A_197 : memref<64x128xf32, #tpu.memory_space<vmem>>[vector<16xi32>, vector<16xi32>], vector<16xf32>,
        %gather3A_202 = arith.constant 0 : i32
        %gather3A_203 = arith.constant 0 : i32
        %gather3A_204 = tpu.memref_slice %arg6[%rem3A_123, %gather3A_202, %gather3A_203] : memref<3x128x128xf32, #tpu.memory_space<vmem>> -> memref<1x128x128xf32, #tpu.memory_space<vmem>>
        %gather3A_205 = tpu.memref_squeeze %gather3A_204 : memref<1x128x128xf32, #tpu.memory_space<vmem>> -> memref<128x128xf32, #tpu.memory_space<vmem>>
        %gather3A_206 = tpu.vector_load_idx %gather3A_205[%add3A_43, %add3A_176] : memref<128x128xf32, #tpu.memory_space<vmem>>[vector<16xi32>, vector<16xi32>], vector<16xf32>,
        %scatter3A_207 = arith.constant 0 : i32
        %scatter3A_208 = arith.constant 0 : i32
        %scatter3A_209 = tpu.memref_slice %arg7[%rem3A_123, %scatter3A_207, %scatter3A_208] : memref<3x64x128xf32, #tpu.memory_space<vmem>> -> memref<1x64x128xf32, #tpu.memory_space<vmem>>
        %scatter3A_210 = tpu.memref_squeeze %scatter3A_209 : memref<1x64x128xf32, #tpu.memory_space<vmem>> -> memref<64x128xf32, #tpu.memory_space<vmem>>
        tpu.vector_store_idx %scatter3A_210[%add3A_176, %add3A_43], %gather3A_206 : memref<64x128xf32, #tpu.memory_space<vmem>>[vector<16xi32>, vector<16xi32>], vector<16xf32>,
        %gather3A_211 = arith.constant 0 : i32
        %gather3A_212 = arith.constant 0 : i32
        %gather3A_213 = tpu.memref_slice %arg6[%rem3A_123, %gather3A_211, %gather3A_212] : memref<3x128x128xf32, #tpu.memory_space<vmem>> -> memref<1x128x128xf32, #tpu.memory_space<vmem>>
        %gather3A_214 = tpu.memref_squeeze %gather3A_213 : memref<1x128x128xf32, #tpu.memory_space<vmem>> -> memref<128x128xf32, #tpu.memory_space<vmem>>
        %gather3A_215 = tpu.vector_load_idx %gather3A_214[%add3A_46, %add3A_176] : memref<128x128xf32, #tpu.memory_space<vmem>>[vector<16xi32>, vector<16xi32>], vector<16xf32>,
        %scatter3A_216 = arith.constant 0 : i32
        %scatter3A_217 = arith.constant 0 : i32
        %scatter3A_218 = tpu.memref_slice %arg7[%rem3A_123, %scatter3A_216, %scatter3A_217] : memref<3x64x128xf32, #tpu.memory_space<vmem>> -> memref<1x64x128xf32, #tpu.memory_space<vmem>>
        %scatter3A_219 = tpu.memref_squeeze %scatter3A_218 : memref<1x64x128xf32, #tpu.memory_space<vmem>> -> memref<64x128xf32, #tpu.memory_space<vmem>>
        tpu.vector_store_idx %scatter3A_219[%add3A_176, %add3A_46], %gather3A_215 : memref<64x128xf32, #tpu.memory_space<vmem>>[vector<16xi32>, vector<16xi32>], vector<16xf32>,
        %gather3A_220 = arith.constant 0 : i32
        %gather3A_221 = arith.constant 0 : i32
        %gather3A_222 = tpu.memref_slice %arg6[%rem3A_123, %gather3A_220, %gather3A_221] : memref<3x128x128xf32, #tpu.memory_space<vmem>> -> memref<1x128x128xf32, #tpu.memory_space<vmem>>
        %gather3A_223 = tpu.memref_squeeze %gather3A_222 : memref<1x128x128xf32, #tpu.memory_space<vmem>> -> memref<128x128xf32, #tpu.memory_space<vmem>>
        %gather3A_224 = tpu.vector_load_idx %gather3A_223[%add3A_49, %add3A_176] : memref<128x128xf32, #tpu.memory_space<vmem>>[vector<16xi32>, vector<16xi32>], vector<16xf32>,
        %scatter3A_225 = arith.constant 0 : i32
        %scatter3A_226 = arith.constant 0 : i32
        %scatter3A_227 = tpu.memref_slice %arg7[%rem3A_123, %scatter3A_225, %scatter3A_226] : memref<3x64x128xf32, #tpu.memory_space<vmem>> -> memref<1x64x128xf32, #tpu.memory_space<vmem>>
        %scatter3A_228 = tpu.memref_squeeze %scatter3A_227 : memref<1x64x128xf32, #tpu.memory_space<vmem>> -> memref<64x128xf32, #tpu.memory_space<vmem>>
        tpu.vector_store_idx %scatter3A_228[%add3A_176, %add3A_49], %gather3A_224 : memref<64x128xf32, #tpu.memory_space<vmem>>[vector<16xi32>, vector<16xi32>], vector<16xf32>,
        %gather3A_229 = arith.constant 0 : i32
        %gather3A_230 = arith.constant 0 : i32
        %gather3A_231 = tpu.memref_slice %arg6[%rem3A_123, %gather3A_229, %gather3A_230] : memref<3x128x128xf32, #tpu.memory_space<vmem>> -> memref<1x128x128xf32, #tpu.memory_space<vmem>>
        %gather3A_232 = tpu.memref_squeeze %gather3A_231 : memref<1x128x128xf32, #tpu.memory_space<vmem>> -> memref<128x128xf32, #tpu.memory_space<vmem>>
        %gather3A_233 = tpu.vector_load_idx %gather3A_232[%add3A_52, %add3A_176] : memref<128x128xf32, #tpu.memory_space<vmem>>[vector<16xi32>, vector<16xi32>], vector<16xf32>,
        %scatter3A_234 = arith.constant 0 : i32
        %scatter3A_235 = arith.constant 0 : i32
        %scatter3A_236 = tpu.memref_slice %arg7[%rem3A_123, %scatter3A_234, %scatter3A_235] : memref<3x64x128xf32, #tpu.memory_space<vmem>> -> memref<1x64x128xf32, #tpu.memory_space<vmem>>
        %scatter3A_237 = tpu.memref_squeeze %scatter3A_236 : memref<1x64x128xf32, #tpu.memory_space<vmem>> -> memref<64x128xf32, #tpu.memory_space<vmem>>
        tpu.vector_store_idx %scatter3A_237[%add3A_176, %add3A_52], %gather3A_233 : memref<64x128xf32, #tpu.memory_space<vmem>>[vector<16xi32>, vector<16xi32>], vector<16xf32>,
        %gather3A_238 = arith.constant 0 : i32
        %gather3A_239 = arith.constant 0 : i32
        %gather3A_240 = tpu.memref_slice %arg6[%rem3A_123, %gather3A_238, %gather3A_239] : memref<3x128x128xf32, #tpu.memory_space<vmem>> -> memref<1x128x128xf32, #tpu.memory_space<vmem>>
        %gather3A_241 = tpu.memref_squeeze %gather3A_240 : memref<1x128x128xf32, #tpu.memory_space<vmem>> -> memref<128x128xf32, #tpu.memory_space<vmem>>
        %gather3A_242 = tpu.vector_load_idx %gather3A_241[%add3A_55, %add3A_176] : memref<128x128xf32, #tpu.memory_space<vmem>>[vector<16xi32>, vector<16xi32>], vector<16xf32>,
        %scatter3A_243 = arith.constant 0 : i32
        %scatter3A_244 = arith.constant 0 : i32
        %scatter3A_245 = tpu.memref_slice %arg7[%rem3A_123, %scatter3A_243, %scatter3A_244] : memref<3x64x128xf32, #tpu.memory_space<vmem>> -> memref<1x64x128xf32, #tpu.memory_space<vmem>>
        %scatter3A_246 = tpu.memref_squeeze %scatter3A_245 : memref<1x64x128xf32, #tpu.memory_space<vmem>> -> memref<64x128xf32, #tpu.memory_space<vmem>>
        tpu.vector_store_idx %scatter3A_246[%add3A_176, %add3A_55], %gather3A_242 : memref<64x128xf32, #tpu.memory_space<vmem>>[vector<16xi32>, vector<16xi32>], vector<16xf32>,
        %add3A_247 = arith.constant 16 : i32
        %add3A_248 = vector.broadcast %add3A_247 : i32 to vector<16xi32>
        %add3A_249 = arith.addi %and3A_173, %add3A_248 : vector<16xi32>
        %gather3A_250 = arith.constant 0 : i32
        %gather3A_251 = arith.constant 0 : i32
        %gather3A_252 = tpu.memref_slice %arg6[%rem3A_123, %gather3A_250, %gather3A_251] : memref<3x128x128xf32, #tpu.memory_space<vmem>> -> memref<1x128x128xf32, #tpu.memory_space<vmem>>
        %gather3A_253 = tpu.memref_squeeze %gather3A_252 : memref<1x128x128xf32, #tpu.memory_space<vmem>> -> memref<128x128xf32, #tpu.memory_space<vmem>>
        %gather3A_254 = tpu.vector_load_idx %gather3A_253[%add3A_34, %add3A_249] : memref<128x128xf32, #tpu.memory_space<vmem>>[vector<16xi32>, vector<16xi32>], vector<16xf32>,
        %scatter3A_255 = arith.constant 0 : i32
        %scatter3A_256 = arith.constant 0 : i32
        %scatter3A_257 = tpu.memref_slice %arg7[%rem3A_123, %scatter3A_255, %scatter3A_256] : memref<3x64x128xf32, #tpu.memory_space<vmem>> -> memref<1x64x128xf32, #tpu.memory_space<vmem>>
        %scatter3A_258 = tpu.memref_squeeze %scatter3A_257 : memref<1x64x128xf32, #tpu.memory_space<vmem>> -> memref<64x128xf32, #tpu.memory_space<vmem>>
        tpu.vector_store_idx %scatter3A_258[%add3A_249, %add3A_34], %gather3A_254 : memref<64x128xf32, #tpu.memory_space<vmem>>[vector<16xi32>, vector<16xi32>], vector<16xf32>,
        %gather3A_259 = arith.constant 0 : i32
        %gather3A_260 = arith.constant 0 : i32
        %gather3A_261 = tpu.memref_slice %arg6[%rem3A_123, %gather3A_259, %gather3A_260] : memref<3x128x128xf32, #tpu.memory_space<vmem>> -> memref<1x128x128xf32, #tpu.memory_space<vmem>>
        %gather3A_262 = tpu.memref_squeeze %gather3A_261 : memref<1x128x128xf32, #tpu.memory_space<vmem>> -> memref<128x128xf32, #tpu.memory_space<vmem>>
        %gather3A_263 = tpu.vector_load_idx %gather3A_262[%add3A_37, %add3A_249] : memref<128x128xf32, #tpu.memory_space<vmem>>[vector<16xi32>, vector<16xi32>], vector<16xf32>,
        %scatter3A_264 = arith.constant 0 : i32
        %scatter3A_265 = arith.constant 0 : i32
        %scatter3A_266 = tpu.memref_slice %arg7[%rem3A_123, %scatter3A_264, %scatter3A_265] : memref<3x64x128xf32, #tpu.memory_space<vmem>> -> memref<1x64x128xf32, #tpu.memory_space<vmem>>
        %scatter3A_267 = tpu.memref_squeeze %scatter3A_266 : memref<1x64x128xf32, #tpu.memory_space<vmem>> -> memref<64x128xf32, #tpu.memory_space<vmem>>
        tpu.vector_store_idx %scatter3A_267[%add3A_249, %add3A_37], %gather3A_263 : memref<64x128xf32, #tpu.memory_space<vmem>>[vector<16xi32>, vector<16xi32>], vector<16xf32>,
        %gather3A_268 = arith.constant 0 : i32
        %gather3A_269 = arith.constant 0 : i32
        %gather3A_270 = tpu.memref_slice %arg6[%rem3A_123, %gather3A_268, %gather3A_269] : memref<3x128x128xf32, #tpu.memory_space<vmem>> -> memref<1x128x128xf32, #tpu.memory_space<vmem>>
        %gather3A_271 = tpu.memref_squeeze %gather3A_270 : memref<1x128x128xf32, #tpu.memory_space<vmem>> -> memref<128x128xf32, #tpu.memory_space<vmem>>
        %gather3A_272 = tpu.vector_load_idx %gather3A_271[%add3A_40, %add3A_249] : memref<128x128xf32, #tpu.memory_space<vmem>>[vector<16xi32>, vector<16xi32>], vector<16xf32>,
        %scatter3A_273 = arith.constant 0 : i32
        %scatter3A_274 = arith.constant 0 : i32
        %scatter3A_275 = tpu.memref_slice %arg7[%rem3A_123, %scatter3A_273, %scatter3A_274] : memref<3x64x128xf32, #tpu.memory_space<vmem>> -> memref<1x64x128xf32, #tpu.memory_space<vmem>>
        %scatter3A_276 = tpu.memref_squeeze %scatter3A_275 : memref<1x64x128xf32, #tpu.memory_space<vmem>> -> memref<64x128xf32, #tpu.memory_space<vmem>>
        tpu.vector_store_idx %scatter3A_276[%add3A_249, %add3A_40], %gather3A_272 : memref<64x128xf32, #tpu.memory_space<vmem>>[vector<16xi32>, vector<16xi32>], vector<16xf32>,
        %gather3A_277 = arith.constant 0 : i32
        %gather3A_278 = arith.constant 0 : i32
        %gather3A_279 = tpu.memref_slice %arg6[%rem3A_123, %gather3A_277, %gather3A_278] : memref<3x128x128xf32, #tpu.memory_space<vmem>> -> memref<1x128x128xf32, #tpu.memory_space<vmem>>
        %gather3A_280 = tpu.memref_squeeze %gather3A_279 : memref<1x128x128xf32, #tpu.memory_space<vmem>> -> memref<128x128xf32, #tpu.memory_space<vmem>>
        %gather3A_281 = tpu.vector_load_idx %gather3A_280[%add3A_43, %add3A_249] : memref<128x128xf32, #tpu.memory_space<vmem>>[vector<16xi32>, vector<16xi32>], vector<16xf32>,
        %scatter3A_282 = arith.constant 0 : i32
        %scatter3A_283 = arith.constant 0 : i32
        %scatter3A_284 = tpu.memref_slice %arg7[%rem3A_123, %scatter3A_282, %scatter3A_283] : memref<3x64x128xf32, #tpu.memory_space<vmem>> -> memref<1x64x128xf32, #tpu.memory_space<vmem>>
        %scatter3A_285 = tpu.memref_squeeze %scatter3A_284 : memref<1x64x128xf32, #tpu.memory_space<vmem>> -> memref<64x128xf32, #tpu.memory_space<vmem>>
        tpu.vector_store_idx %scatter3A_285[%add3A_249, %add3A_43], %gather3A_281 : memref<64x128xf32, #tpu.memory_space<vmem>>[vector<16xi32>, vector<16xi32>], vector<16xf32>,
        %gather3A_286 = arith.constant 0 : i32
        %gather3A_287 = arith.constant 0 : i32
        %gather3A_288 = tpu.memref_slice %arg6[%rem3A_123, %gather3A_286, %gather3A_287] : memref<3x128x128xf32, #tpu.memory_space<vmem>> -> memref<1x128x128xf32, #tpu.memory_space<vmem>>
        %gather3A_289 = tpu.memref_squeeze %gather3A_288 : memref<1x128x128xf32, #tpu.memory_space<vmem>> -> memref<128x128xf32, #tpu.memory_space<vmem>>
        %gather3A_290 = tpu.vector_load_idx %gather3A_289[%add3A_46, %add3A_249] : memref<128x128xf32, #tpu.memory_space<vmem>>[vector<16xi32>, vector<16xi32>], vector<16xf32>,
        %scatter3A_291 = arith.constant 0 : i32
        %scatter3A_292 = arith.constant 0 : i32
        %scatter3A_293 = tpu.memref_slice %arg7[%rem3A_123, %scatter3A_291, %scatter3A_292] : memref<3x64x128xf32, #tpu.memory_space<vmem>> -> memref<1x64x128xf32, #tpu.memory_space<vmem>>
        %scatter3A_294 = tpu.memref_squeeze %scatter3A_293 : memref<1x64x128xf32, #tpu.memory_space<vmem>> -> memref<64x128xf32, #tpu.memory_space<vmem>>
        tpu.vector_store_idx %scatter3A_294[%add3A_249, %add3A_46], %gather3A_290 : memref<64x128xf32, #tpu.memory_space<vmem>>[vector<16xi32>, vector<16xi32>], vector<16xf32>,
        %gather3A_295 = arith.constant 0 : i32
        %gather3A_296 = arith.constant 0 : i32
        %gather3A_297 = tpu.memref_slice %arg6[%rem3A_123, %gather3A_295, %gather3A_296] : memref<3x128x128xf32, #tpu.memory_space<vmem>> -> memref<1x128x128xf32, #tpu.memory_space<vmem>>
        %gather3A_298 = tpu.memref_squeeze %gather3A_297 : memref<1x128x128xf32, #tpu.memory_space<vmem>> -> memref<128x128xf32, #tpu.memory_space<vmem>>
        %gather3A_299 = tpu.vector_load_idx %gather3A_298[%add3A_49, %add3A_249] : memref<128x128xf32, #tpu.memory_space<vmem>>[vector<16xi32>, vector<16xi32>], vector<16xf32>,
        %scatter3A_300 = arith.constant 0 : i32
        %scatter3A_301 = arith.constant 0 : i32
        %scatter3A_302 = tpu.memref_slice %arg7[%rem3A_123, %scatter3A_300, %scatter3A_301] : memref<3x64x128xf32, #tpu.memory_space<vmem>> -> memref<1x64x128xf32, #tpu.memory_space<vmem>>
        %scatter3A_303 = tpu.memref_squeeze %scatter3A_302 : memref<1x64x128xf32, #tpu.memory_space<vmem>> -> memref<64x128xf32, #tpu.memory_space<vmem>>
        tpu.vector_store_idx %scatter3A_303[%add3A_249, %add3A_49], %gather3A_299 : memref<64x128xf32, #tpu.memory_space<vmem>>[vector<16xi32>, vector<16xi32>], vector<16xf32>,
        %gather3A_304 = arith.constant 0 : i32
        %gather3A_305 = arith.constant 0 : i32
        %gather3A_306 = tpu.memref_slice %arg6[%rem3A_123, %gather3A_304, %gather3A_305] : memref<3x128x128xf32, #tpu.memory_space<vmem>> -> memref<1x128x128xf32, #tpu.memory_space<vmem>>
        %gather3A_307 = tpu.memref_squeeze %gather3A_306 : memref<1x128x128xf32, #tpu.memory_space<vmem>> -> memref<128x128xf32, #tpu.memory_space<vmem>>
        %gather3A_308 = tpu.vector_load_idx %gather3A_307[%add3A_52, %add3A_249] : memref<128x128xf32, #tpu.memory_space<vmem>>[vector<16xi32>, vector<16xi32>], vector<16xf32>,
        %scatter3A_309 = arith.constant 0 : i32
        %scatter3A_310 = arith.constant 0 : i32
        %scatter3A_311 = tpu.memref_slice %arg7[%rem3A_123, %scatter3A_309, %scatter3A_310] : memref<3x64x128xf32, #tpu.memory_space<vmem>> -> memref<1x64x128xf32, #tpu.memory_space<vmem>>
        %scatter3A_312 = tpu.memref_squeeze %scatter3A_311 : memref<1x64x128xf32, #tpu.memory_space<vmem>> -> memref<64x128xf32, #tpu.memory_space<vmem>>
        tpu.vector_store_idx %scatter3A_312[%add3A_249, %add3A_52], %gather3A_308 : memref<64x128xf32, #tpu.memory_space<vmem>>[vector<16xi32>, vector<16xi32>], vector<16xf32>,
        %gather3A_313 = arith.constant 0 : i32
        %gather3A_314 = arith.constant 0 : i32
        %gather3A_315 = tpu.memref_slice %arg6[%rem3A_123, %gather3A_313, %gather3A_314] : memref<3x128x128xf32, #tpu.memory_space<vmem>> -> memref<1x128x128xf32, #tpu.memory_space<vmem>>
        %gather3A_316 = tpu.memref_squeeze %gather3A_315 : memref<1x128x128xf32, #tpu.memory_space<vmem>> -> memref<128x128xf32, #tpu.memory_space<vmem>>
        %gather3A_317 = tpu.vector_load_idx %gather3A_316[%add3A_55, %add3A_249] : memref<128x128xf32, #tpu.memory_space<vmem>>[vector<16xi32>, vector<16xi32>], vector<16xf32>,
        %scatter3A_318 = arith.constant 0 : i32
        %scatter3A_319 = arith.constant 0 : i32
        %scatter3A_320 = tpu.memref_slice %arg7[%rem3A_123, %scatter3A_318, %scatter3A_319] : memref<3x64x128xf32, #tpu.memory_space<vmem>> -> memref<1x64x128xf32, #tpu.memory_space<vmem>>
        %scatter3A_321 = tpu.memref_squeeze %scatter3A_320 : memref<1x64x128xf32, #tpu.memory_space<vmem>> -> memref<64x128xf32, #tpu.memory_space<vmem>>
        tpu.vector_store_idx %scatter3A_321[%add3A_249, %add3A_55], %gather3A_317 : memref<64x128xf32, #tpu.memory_space<vmem>>[vector<16xi32>, vector<16xi32>], vector<16xf32>,
        %add3A_322 = arith.constant 32 : i32
        %add3A_323 = vector.broadcast %add3A_322 : i32 to vector<16xi32>
        %add3A_324 = arith.addi %and3A_173, %add3A_323 : vector<16xi32>
        %gather3A_325 = arith.constant 0 : i32
        %gather3A_326 = arith.constant 0 : i32
        %gather3A_327 = tpu.memref_slice %arg6[%rem3A_123, %gather3A_325, %gather3A_326] : memref<3x128x128xf32, #tpu.memory_space<vmem>> -> memref<1x128x128xf32, #tpu.memory_space<vmem>>
        %gather3A_328 = tpu.memref_squeeze %gather3A_327 : memref<1x128x128xf32, #tpu.memory_space<vmem>> -> memref<128x128xf32, #tpu.memory_space<vmem>>
        %gather3A_329 = tpu.vector_load_idx %gather3A_328[%add3A_34, %add3A_324] : memref<128x128xf32, #tpu.memory_space<vmem>>[vector<16xi32>, vector<16xi32>], vector<16xf32>,
        %scatter3A_330 = arith.constant 0 : i32
        %scatter3A_331 = arith.constant 0 : i32
        %scatter3A_332 = tpu.memref_slice %arg7[%rem3A_123, %scatter3A_330, %scatter3A_331] : memref<3x64x128xf32, #tpu.memory_space<vmem>> -> memref<1x64x128xf32, #tpu.memory_space<vmem>>
        %scatter3A_333 = tpu.memref_squeeze %scatter3A_332 : memref<1x64x128xf32, #tpu.memory_space<vmem>> -> memref<64x128xf32, #tpu.memory_space<vmem>>
        tpu.vector_store_idx %scatter3A_333[%add3A_324, %add3A_34], %gather3A_329 : memref<64x128xf32, #tpu.memory_space<vmem>>[vector<16xi32>, vector<16xi32>], vector<16xf32>,
        %gather3A_334 = arith.constant 0 : i32
        %gather3A_335 = arith.constant 0 : i32
        %gather3A_336 = tpu.memref_slice %arg6[%rem3A_123, %gather3A_334, %gather3A_335] : memref<3x128x128xf32, #tpu.memory_space<vmem>> -> memref<1x128x128xf32, #tpu.memory_space<vmem>>
        %gather3A_337 = tpu.memref_squeeze %gather3A_336 : memref<1x128x128xf32, #tpu.memory_space<vmem>> -> memref<128x128xf32, #tpu.memory_space<vmem>>
        %gather3A_338 = tpu.vector_load_idx %gather3A_337[%add3A_37, %add3A_324] : memref<128x128xf32, #tpu.memory_space<vmem>>[vector<16xi32>, vector<16xi32>], vector<16xf32>,
        %scatter3A_339 = arith.constant 0 : i32
        %scatter3A_340 = arith.constant 0 : i32
        %scatter3A_341 = tpu.memref_slice %arg7[%rem3A_123, %scatter3A_339, %scatter3A_340] : memref<3x64x128xf32, #tpu.memory_space<vmem>> -> memref<1x64x128xf32, #tpu.memory_space<vmem>>
        %scatter3A_342 = tpu.memref_squeeze %scatter3A_341 : memref<1x64x128xf32, #tpu.memory_space<vmem>> -> memref<64x128xf32, #tpu.memory_space<vmem>>
        tpu.vector_store_idx %scatter3A_342[%add3A_324, %add3A_37], %gather3A_338 : memref<64x128xf32, #tpu.memory_space<vmem>>[vector<16xi32>, vector<16xi32>], vector<16xf32>,
        %gather3A_343 = arith.constant 0 : i32
        %gather3A_344 = arith.constant 0 : i32
        %gather3A_345 = tpu.memref_slice %arg6[%rem3A_123, %gather3A_343, %gather3A_344] : memref<3x128x128xf32, #tpu.memory_space<vmem>> -> memref<1x128x128xf32, #tpu.memory_space<vmem>>
        %gather3A_346 = tpu.memref_squeeze %gather3A_345 : memref<1x128x128xf32, #tpu.memory_space<vmem>> -> memref<128x128xf32, #tpu.memory_space<vmem>>
        %gather3A_347 = tpu.vector_load_idx %gather3A_346[%add3A_40, %add3A_324] : memref<128x128xf32, #tpu.memory_space<vmem>>[vector<16xi32>, vector<16xi32>], vector<16xf32>,
        %scatter3A_348 = arith.constant 0 : i32
        %scatter3A_349 = arith.constant 0 : i32
        %scatter3A_350 = tpu.memref_slice %arg7[%rem3A_123, %scatter3A_348, %scatter3A_349] : memref<3x64x128xf32, #tpu.memory_space<vmem>> -> memref<1x64x128xf32, #tpu.memory_space<vmem>>
        %scatter3A_351 = tpu.memref_squeeze %scatter3A_350 : memref<1x64x128xf32, #tpu.memory_space<vmem>> -> memref<64x128xf32, #tpu.memory_space<vmem>>
        tpu.vector_store_idx %scatter3A_351[%add3A_324, %add3A_40], %gather3A_347 : memref<64x128xf32, #tpu.memory_space<vmem>>[vector<16xi32>, vector<16xi32>], vector<16xf32>,
        %gather3A_352 = arith.constant 0 : i32
        %gather3A_353 = arith.constant 0 : i32
        %gather3A_354 = tpu.memref_slice %arg6[%rem3A_123, %gather3A_352, %gather3A_353] : memref<3x128x128xf32, #tpu.memory_space<vmem>> -> memref<1x128x128xf32, #tpu.memory_space<vmem>>
        %gather3A_355 = tpu.memref_squeeze %gather3A_354 : memref<1x128x128xf32, #tpu.memory_space<vmem>> -> memref<128x128xf32, #tpu.memory_space<vmem>>
        %gather3A_356 = tpu.vector_load_idx %gather3A_355[%add3A_43, %add3A_324] : memref<128x128xf32, #tpu.memory_space<vmem>>[vector<16xi32>, vector<16xi32>], vector<16xf32>,
        %scatter3A_357 = arith.constant 0 : i32
        %scatter3A_358 = arith.constant 0 : i32
        %scatter3A_359 = tpu.memref_slice %arg7[%rem3A_123, %scatter3A_357, %scatter3A_358] : memref<3x64x128xf32, #tpu.memory_space<vmem>> -> memref<1x64x128xf32, #tpu.memory_space<vmem>>
        %scatter3A_360 = tpu.memref_squeeze %scatter3A_359 : memref<1x64x128xf32, #tpu.memory_space<vmem>> -> memref<64x128xf32, #tpu.memory_space<vmem>>
        tpu.vector_store_idx %scatter3A_360[%add3A_324, %add3A_43], %gather3A_356 : memref<64x128xf32, #tpu.memory_space<vmem>>[vector<16xi32>, vector<16xi32>], vector<16xf32>,
        %gather3A_361 = arith.constant 0 : i32
        %gather3A_362 = arith.constant 0 : i32
        %gather3A_363 = tpu.memref_slice %arg6[%rem3A_123, %gather3A_361, %gather3A_362] : memref<3x128x128xf32, #tpu.memory_space<vmem>> -> memref<1x128x128xf32, #tpu.memory_space<vmem>>
        %gather3A_364 = tpu.memref_squeeze %gather3A_363 : memref<1x128x128xf32, #tpu.memory_space<vmem>> -> memref<128x128xf32, #tpu.memory_space<vmem>>
        %gather3A_365 = tpu.vector_load_idx %gather3A_364[%add3A_46, %add3A_324] : memref<128x128xf32, #tpu.memory_space<vmem>>[vector<16xi32>, vector<16xi32>], vector<16xf32>,
        %scatter3A_366 = arith.constant 0 : i32
        %scatter3A_367 = arith.constant 0 : i32
        %scatter3A_368 = tpu.memref_slice %arg7[%rem3A_123, %scatter3A_366, %scatter3A_367] : memref<3x64x128xf32, #tpu.memory_space<vmem>> -> memref<1x64x128xf32, #tpu.memory_space<vmem>>
        %scatter3A_369 = tpu.memref_squeeze %scatter3A_368 : memref<1x64x128xf32, #tpu.memory_space<vmem>> -> memref<64x128xf32, #tpu.memory_space<vmem>>
        tpu.vector_store_idx %scatter3A_369[%add3A_324, %add3A_46], %gather3A_365 : memref<64x128xf32, #tpu.memory_space<vmem>>[vector<16xi32>, vector<16xi32>], vector<16xf32>,
        %gather3A_370 = arith.constant 0 : i32
        %gather3A_371 = arith.constant 0 : i32
        %gather3A_372 = tpu.memref_slice %arg6[%rem3A_123, %gather3A_370, %gather3A_371] : memref<3x128x128xf32, #tpu.memory_space<vmem>> -> memref<1x128x128xf32, #tpu.memory_space<vmem>>
        %gather3A_373 = tpu.memref_squeeze %gather3A_372 : memref<1x128x128xf32, #tpu.memory_space<vmem>> -> memref<128x128xf32, #tpu.memory_space<vmem>>
        %gather3A_374 = tpu.vector_load_idx %gather3A_373[%add3A_49, %add3A_324] : memref<128x128xf32, #tpu.memory_space<vmem>>[vector<16xi32>, vector<16xi32>], vector<16xf32>,
        %scatter3A_375 = arith.constant 0 : i32
        %scatter3A_376 = arith.constant 0 : i32
        %scatter3A_377 = tpu.memref_slice %arg7[%rem3A_123, %scatter3A_375, %scatter3A_376] : memref<3x64x128xf32, #tpu.memory_space<vmem>> -> memref<1x64x128xf32, #tpu.memory_space<vmem>>
        %scatter3A_378 = tpu.memref_squeeze %scatter3A_377 : memref<1x64x128xf32, #tpu.memory_space<vmem>> -> memref<64x128xf32, #tpu.memory_space<vmem>>
        tpu.vector_store_idx %scatter3A_378[%add3A_324, %add3A_49], %gather3A_374 : memref<64x128xf32, #tpu.memory_space<vmem>>[vector<16xi32>, vector<16xi32>], vector<16xf32>,
        %gather3A_379 = arith.constant 0 : i32
        %gather3A_380 = arith.constant 0 : i32
        %gather3A_381 = tpu.memref_slice %arg6[%rem3A_123, %gather3A_379, %gather3A_380] : memref<3x128x128xf32, #tpu.memory_space<vmem>> -> memref<1x128x128xf32, #tpu.memory_space<vmem>>
        %gather3A_382 = tpu.memref_squeeze %gather3A_381 : memref<1x128x128xf32, #tpu.memory_space<vmem>> -> memref<128x128xf32, #tpu.memory_space<vmem>>
        %gather3A_383 = tpu.vector_load_idx %gather3A_382[%add3A_52, %add3A_324] : memref<128x128xf32, #tpu.memory_space<vmem>>[vector<16xi32>, vector<16xi32>], vector<16xf32>,
        %scatter3A_384 = arith.constant 0 : i32
        %scatter3A_385 = arith.constant 0 : i32
        %scatter3A_386 = tpu.memref_slice %arg7[%rem3A_123, %scatter3A_384, %scatter3A_385] : memref<3x64x128xf32, #tpu.memory_space<vmem>> -> memref<1x64x128xf32, #tpu.memory_space<vmem>>
        %scatter3A_387 = tpu.memref_squeeze %scatter3A_386 : memref<1x64x128xf32, #tpu.memory_space<vmem>> -> memref<64x128xf32, #tpu.memory_space<vmem>>
        tpu.vector_store_idx %scatter3A_387[%add3A_324, %add3A_52], %gather3A_383 : memref<64x128xf32, #tpu.memory_space<vmem>>[vector<16xi32>, vector<16xi32>], vector<16xf32>,
        %gather3A_388 = arith.constant 0 : i32
        %gather3A_389 = arith.constant 0 : i32
        %gather3A_390 = tpu.memref_slice %arg6[%rem3A_123, %gather3A_388, %gather3A_389] : memref<3x128x128xf32, #tpu.memory_space<vmem>> -> memref<1x128x128xf32, #tpu.memory_space<vmem>>
        %gather3A_391 = tpu.memref_squeeze %gather3A_390 : memref<1x128x128xf32, #tpu.memory_space<vmem>> -> memref<128x128xf32, #tpu.memory_space<vmem>>
        %gather3A_392 = tpu.vector_load_idx %gather3A_391[%add3A_55, %add3A_324] : memref<128x128xf32, #tpu.memory_space<vmem>>[vector<16xi32>, vector<16xi32>], vector<16xf32>,
        %scatter3A_393 = arith.constant 0 : i32
        %scatter3A_394 = arith.constant 0 : i32
        %scatter3A_395 = tpu.memref_slice %arg7[%rem3A_123, %scatter3A_393, %scatter3A_394] : memref<3x64x128xf32, #tpu.memory_space<vmem>> -> memref<1x64x128xf32, #tpu.memory_space<vmem>>
        %scatter3A_396 = tpu.memref_squeeze %scatter3A_395 : memref<1x64x128xf32, #tpu.memory_space<vmem>> -> memref<64x128xf32, #tpu.memory_space<vmem>>
        tpu.vector_store_idx %scatter3A_396[%add3A_324, %add3A_55], %gather3A_392 : memref<64x128xf32, #tpu.memory_space<vmem>>[vector<16xi32>, vector<16xi32>], vector<16xf32>,
        %add3A_397 = arith.constant 48 : i32
        %add3A_398 = vector.broadcast %add3A_397 : i32 to vector<16xi32>
        %add3A_399 = arith.addi %and3A_173, %add3A_398 : vector<16xi32>
        %gather3A_400 = arith.constant 0 : i32
        %gather3A_401 = arith.constant 0 : i32
        %gather3A_402 = tpu.memref_slice %arg6[%rem3A_123, %gather3A_400, %gather3A_401] : memref<3x128x128xf32, #tpu.memory_space<vmem>> -> memref<1x128x128xf32, #tpu.memory_space<vmem>>
        %gather3A_403 = tpu.memref_squeeze %gather3A_402 : memref<1x128x128xf32, #tpu.memory_space<vmem>> -> memref<128x128xf32, #tpu.memory_space<vmem>>
        %gather3A_404 = tpu.vector_load_idx %gather3A_403[%add3A_34, %add3A_399] : memref<128x128xf32, #tpu.memory_space<vmem>>[vector<16xi32>, vector<16xi32>], vector<16xf32>,
        %scatter3A_405 = arith.constant 0 : i32
        %scatter3A_406 = arith.constant 0 : i32
        %scatter3A_407 = tpu.memref_slice %arg7[%rem3A_123, %scatter3A_405, %scatter3A_406] : memref<3x64x128xf32, #tpu.memory_space<vmem>> -> memref<1x64x128xf32, #tpu.memory_space<vmem>>
        %scatter3A_408 = tpu.memref_squeeze %scatter3A_407 : memref<1x64x128xf32, #tpu.memory_space<vmem>> -> memref<64x128xf32, #tpu.memory_space<vmem>>
        tpu.vector_store_idx %scatter3A_408[%add3A_399, %add3A_34], %gather3A_404 : memref<64x128xf32, #tpu.memory_space<vmem>>[vector<16xi32>, vector<16xi32>], vector<16xf32>,
        %gather3A_409 = arith.constant 0 : i32
        %gather3A_410 = arith.constant 0 : i32
        %gather3A_411 = tpu.memref_slice %arg6[%rem3A_123, %gather3A_409, %gather3A_410] : memref<3x128x128xf32, #tpu.memory_space<vmem>> -> memref<1x128x128xf32, #tpu.memory_space<vmem>>
        %gather3A_412 = tpu.memref_squeeze %gather3A_411 : memref<1x128x128xf32, #tpu.memory_space<vmem>> -> memref<128x128xf32, #tpu.memory_space<vmem>>
        %gather3A_413 = tpu.vector_load_idx %gather3A_412[%add3A_37, %add3A_399] : memref<128x128xf32, #tpu.memory_space<vmem>>[vector<16xi32>, vector<16xi32>], vector<16xf32>,
        %scatter3A_414 = arith.constant 0 : i32
        %scatter3A_415 = arith.constant 0 : i32
        %scatter3A_416 = tpu.memref_slice %arg7[%rem3A_123, %scatter3A_414, %scatter3A_415] : memref<3x64x128xf32, #tpu.memory_space<vmem>> -> memref<1x64x128xf32, #tpu.memory_space<vmem>>
        %scatter3A_417 = tpu.memref_squeeze %scatter3A_416 : memref<1x64x128xf32, #tpu.memory_space<vmem>> -> memref<64x128xf32, #tpu.memory_space<vmem>>
        tpu.vector_store_idx %scatter3A_417[%add3A_399, %add3A_37], %gather3A_413 : memref<64x128xf32, #tpu.memory_space<vmem>>[vector<16xi32>, vector<16xi32>], vector<16xf32>,
        %gather3A_418 = arith.constant 0 : i32
        %gather3A_419 = arith.constant 0 : i32
        %gather3A_420 = tpu.memref_slice %arg6[%rem3A_123, %gather3A_418, %gather3A_419] : memref<3x128x128xf32, #tpu.memory_space<vmem>> -> memref<1x128x128xf32, #tpu.memory_space<vmem>>
        %gather3A_421 = tpu.memref_squeeze %gather3A_420 : memref<1x128x128xf32, #tpu.memory_space<vmem>> -> memref<128x128xf32, #tpu.memory_space<vmem>>
        %gather3A_422 = tpu.vector_load_idx %gather3A_421[%add3A_40, %add3A_399] : memref<128x128xf32, #tpu.memory_space<vmem>>[vector<16xi32>, vector<16xi32>], vector<16xf32>,
        %scatter3A_423 = arith.constant 0 : i32
        %scatter3A_424 = arith.constant 0 : i32
        %scatter3A_425 = tpu.memref_slice %arg7[%rem3A_123, %scatter3A_423, %scatter3A_424] : memref<3x64x128xf32, #tpu.memory_space<vmem>> -> memref<1x64x128xf32, #tpu.memory_space<vmem>>
        %scatter3A_426 = tpu.memref_squeeze %scatter3A_425 : memref<1x64x128xf32, #tpu.memory_space<vmem>> -> memref<64x128xf32, #tpu.memory_space<vmem>>
        tpu.vector_store_idx %scatter3A_426[%add3A_399, %add3A_40], %gather3A_422 : memref<64x128xf32, #tpu.memory_space<vmem>>[vector<16xi32>, vector<16xi32>], vector<16xf32>,
        %gather3A_427 = arith.constant 0 : i32
        %gather3A_428 = arith.constant 0 : i32
        %gather3A_429 = tpu.memref_slice %arg6[%rem3A_123, %gather3A_427, %gather3A_428] : memref<3x128x128xf32, #tpu.memory_space<vmem>> -> memref<1x128x128xf32, #tpu.memory_space<vmem>>
        %gather3A_430 = tpu.memref_squeeze %gather3A_429 : memref<1x128x128xf32, #tpu.memory_space<vmem>> -> memref<128x128xf32, #tpu.memory_space<vmem>>
        %gather3A_431 = tpu.vector_load_idx %gather3A_430[%add3A_43, %add3A_399] : memref<128x128xf32, #tpu.memory_space<vmem>>[vector<16xi32>, vector<16xi32>], vector<16xf32>,
        %scatter3A_432 = arith.constant 0 : i32
        %scatter3A_433 = arith.constant 0 : i32
        %scatter3A_434 = tpu.memref_slice %arg7[%rem3A_123, %scatter3A_432, %scatter3A_433] : memref<3x64x128xf32, #tpu.memory_space<vmem>> -> memref<1x64x128xf32, #tpu.memory_space<vmem>>
        %scatter3A_435 = tpu.memref_squeeze %scatter3A_434 : memref<1x64x128xf32, #tpu.memory_space<vmem>> -> memref<64x128xf32, #tpu.memory_space<vmem>>
        tpu.vector_store_idx %scatter3A_435[%add3A_399, %add3A_43], %gather3A_431 : memref<64x128xf32, #tpu.memory_space<vmem>>[vector<16xi32>, vector<16xi32>], vector<16xf32>,
        %gather3A_436 = arith.constant 0 : i32
        %gather3A_437 = arith.constant 0 : i32
        %gather3A_438 = tpu.memref_slice %arg6[%rem3A_123, %gather3A_436, %gather3A_437] : memref<3x128x128xf32, #tpu.memory_space<vmem>> -> memref<1x128x128xf32, #tpu.memory_space<vmem>>
        %gather3A_439 = tpu.memref_squeeze %gather3A_438 : memref<1x128x128xf32, #tpu.memory_space<vmem>> -> memref<128x128xf32, #tpu.memory_space<vmem>>
        %gather3A_440 = tpu.vector_load_idx %gather3A_439[%add3A_46, %add3A_399] : memref<128x128xf32, #tpu.memory_space<vmem>>[vector<16xi32>, vector<16xi32>], vector<16xf32>,
        %scatter3A_441 = arith.constant 0 : i32
        %scatter3A_442 = arith.constant 0 : i32
        %scatter3A_443 = tpu.memref_slice %arg7[%rem3A_123, %scatter3A_441, %scatter3A_442] : memref<3x64x128xf32, #tpu.memory_space<vmem>> -> memref<1x64x128xf32, #tpu.memory_space<vmem>>
        %scatter3A_444 = tpu.memref_squeeze %scatter3A_443 : memref<1x64x128xf32, #tpu.memory_space<vmem>> -> memref<64x128xf32, #tpu.memory_space<vmem>>
        tpu.vector_store_idx %scatter3A_444[%add3A_399, %add3A_46], %gather3A_440 : memref<64x128xf32, #tpu.memory_space<vmem>>[vector<16xi32>, vector<16xi32>], vector<16xf32>,
        %gather3A_445 = arith.constant 0 : i32
        %gather3A_446 = arith.constant 0 : i32
        %gather3A_447 = tpu.memref_slice %arg6[%rem3A_123, %gather3A_445, %gather3A_446] : memref<3x128x128xf32, #tpu.memory_space<vmem>> -> memref<1x128x128xf32, #tpu.memory_space<vmem>>
        %gather3A_448 = tpu.memref_squeeze %gather3A_447 : memref<1x128x128xf32, #tpu.memory_space<vmem>> -> memref<128x128xf32, #tpu.memory_space<vmem>>
        %gather3A_449 = tpu.vector_load_idx %gather3A_448[%add3A_49, %add3A_399] : memref<128x128xf32, #tpu.memory_space<vmem>>[vector<16xi32>, vector<16xi32>], vector<16xf32>,
        %scatter3A_450 = arith.constant 0 : i32
        %scatter3A_451 = arith.constant 0 : i32
        %scatter3A_452 = tpu.memref_slice %arg7[%rem3A_123, %scatter3A_450, %scatter3A_451] : memref<3x64x128xf32, #tpu.memory_space<vmem>> -> memref<1x64x128xf32, #tpu.memory_space<vmem>>
        %scatter3A_453 = tpu.memref_squeeze %scatter3A_452 : memref<1x64x128xf32, #tpu.memory_space<vmem>> -> memref<64x128xf32, #tpu.memory_space<vmem>>
        tpu.vector_store_idx %scatter3A_453[%add3A_399, %add3A_49], %gather3A_449 : memref<64x128xf32, #tpu.memory_space<vmem>>[vector<16xi32>, vector<16xi32>], vector<16xf32>,
        %gather3A_454 = arith.constant 0 : i32
        %gather3A_455 = arith.constant 0 : i32
        %gather3A_456 = tpu.memref_slice %arg6[%rem3A_123, %gather3A_454, %gather3A_455] : memref<3x128x128xf32, #tpu.memory_space<vmem>> -> memref<1x128x128xf32, #tpu.memory_space<vmem>>
        %gather3A_457 = tpu.memref_squeeze %gather3A_456 : memref<1x128x128xf32, #tpu.memory_space<vmem>> -> memref<128x128xf32, #tpu.memory_space<vmem>>
        %gather3A_458 = tpu.vector_load_idx %gather3A_457[%add3A_52, %add3A_399] : memref<128x128xf32, #tpu.memory_space<vmem>>[vector<16xi32>, vector<16xi32>], vector<16xf32>,
        %scatter3A_459 = arith.constant 0 : i32
        %scatter3A_460 = arith.constant 0 : i32
        %scatter3A_461 = tpu.memref_slice %arg7[%rem3A_123, %scatter3A_459, %scatter3A_460] : memref<3x64x128xf32, #tpu.memory_space<vmem>> -> memref<1x64x128xf32, #tpu.memory_space<vmem>>
        %scatter3A_462 = tpu.memref_squeeze %scatter3A_461 : memref<1x64x128xf32, #tpu.memory_space<vmem>> -> memref<64x128xf32, #tpu.memory_space<vmem>>
        tpu.vector_store_idx %scatter3A_462[%add3A_399, %add3A_52], %gather3A_458 : memref<64x128xf32, #tpu.memory_space<vmem>>[vector<16xi32>, vector<16xi32>], vector<16xf32>,
        %gather3A_463 = arith.constant 0 : i32
        %gather3A_464 = arith.constant 0 : i32
        %gather3A_465 = tpu.memref_slice %arg6[%rem3A_123, %gather3A_463, %gather3A_464] : memref<3x128x128xf32, #tpu.memory_space<vmem>> -> memref<1x128x128xf32, #tpu.memory_space<vmem>>
        %gather3A_466 = tpu.memref_squeeze %gather3A_465 : memref<1x128x128xf32, #tpu.memory_space<vmem>> -> memref<128x128xf32, #tpu.memory_space<vmem>>
        %gather3A_467 = tpu.vector_load_idx %gather3A_466[%add3A_55, %add3A_399] : memref<128x128xf32, #tpu.memory_space<vmem>>[vector<16xi32>, vector<16xi32>], vector<16xf32>,
        %scatter3A_468 = arith.constant 0 : i32
        %scatter3A_469 = arith.constant 0 : i32
        %scatter3A_470 = tpu.memref_slice %arg7[%rem3A_123, %scatter3A_468, %scatter3A_469] : memref<3x64x128xf32, #tpu.memory_space<vmem>> -> memref<1x64x128xf32, #tpu.memory_space<vmem>>
        %scatter3A_471 = tpu.memref_squeeze %scatter3A_470 : memref<1x64x128xf32, #tpu.memory_space<vmem>> -> memref<64x128xf32, #tpu.memory_space<vmem>>
        tpu.vector_store_idx %scatter3A_471[%add3A_399, %add3A_55], %gather3A_467 : memref<64x128xf32, #tpu.memory_space<vmem>>[vector<16xi32>, vector<16xi32>], vector<16xf32>,
        %scan3A_472 = arith.constant 0 : i32
        scf.yield %scan3A_472 : i32
      }
      %scan3A_150 = arith.constant 16 : i32
      %dma_start3A_151 = arith.constant 0 : i32
      %dma_start3A_152 = arith.constant 0 : i32
      %dma_start3A_153 = tpu.memref_slice %arg7[%rem3A_123, %dma_start3A_151, %dma_start3A_152] : memref<3x64x128xf32, #tpu.memory_space<vmem>> -> memref<1x64x128xf32, #tpu.memory_space<vmem>>
      %dma_start3A_154 = tpu.memref_squeeze %dma_start3A_153 : memref<1x64x128xf32, #tpu.memory_space<vmem>> -> memref<64x128xf32, #tpu.memory_space<vmem>>
      %dma_start3A_155 = arith.constant 0 : i32
      %dma_start3A_156 = tpu.memref_slice %arg4[%scan3A_120, %dma_start3A_155, %mul3A_2] : memref<50x64x4096xf32, #tpu.memory_space<hbm>> -> memref<1x64x128xf32, #tpu.memory_space<hbm>>
      %dma_start3A_157 = tpu.memref_squeeze %dma_start3A_156 : memref<1x64x128xf32, #tpu.memory_space<hbm>> -> memref<64x128xf32, #tpu.memory_space<hbm>>
      %dma_start3A_158 = tpu.memref_slice %arg9[%rem3A_123] : memref<3x!tpu.dma_semaphore, #tpu.memory_space<semaphore_mem>> -> memref<1x!tpu.dma_semaphore, #tpu.memory_space<semaphore_mem>>
      %dma_start3A_159 = tpu.memref_squeeze %dma_start3A_158 : memref<1x!tpu.dma_semaphore, #tpu.memory_space<semaphore_mem>> -> memref<!tpu.dma_semaphore, #tpu.memory_space<semaphore_mem>>
      %dma_start3A_160 = arith.constant 0 : i32
      %dma_start3A_161 = tpu.memref_slice %arg4[%scan3A_120, %dma_start3A_160, %mul3A_2] : memref<50x64x4096xf32, #tpu.memory_space<hbm>> -> memref<1x64x128xf32, #tpu.memory_space<hbm>>
      %dma_start3A_162 = tpu.memref_squeeze %dma_start3A_161 : memref<1x64x128xf32, #tpu.memory_space<hbm>> -> memref<64x128xf32, #tpu.memory_space<hbm>>
      %dma_start3A_163 = arith.constant 0 : i32
      %dma_start3A_164 = arith.constant 0 : i32
      %dma_start3A_165 = tpu.memref_slice %arg7[%rem3A_123, %dma_start3A_163, %dma_start3A_164] : memref<3x64x128xf32, #tpu.memory_space<vmem>> -> memref<1x64x128xf32, #tpu.memory_space<vmem>>
      %dma_start3A_166 = tpu.memref_squeeze %dma_start3A_165 : memref<1x64x128xf32, #tpu.memory_space<vmem>> -> memref<64x128xf32, #tpu.memory_space<vmem>>
      tpu.enqueue_dma source(%dma_start3A_166 : memref<64x128xf32, #tpu.memory_space<vmem>>) target(%dma_start3A_162 : memref<64x128xf32, #tpu.memory_space<hbm>>) target_semaphore(%dma_start3A_159 : memref<!tpu.dma_semaphore, #tpu.memory_space<semaphore_mem>>)
      %scan3A_167 = arith.constant 0 : i32
      scf.yield %scan3A_167 : i32
    }
    %scan3A_61 = arith.constant 50 : i32
    %rem3A = arith.constant 47 : i32
    %rem3A_62 = arith.constant 3 : i32
    %rem3A_63 = arith.remsi %rem3A, %rem3A_62 : i32
    %dma_wait3A = arith.constant 47 : i32
    %dma_wait3A_64 = arith.constant 0 : i32
    %dma_wait3A_65 = arith.constant 0 : i32
    %dma_wait3A_66 = tpu.memref_slice %arg7[%rem3A_63, %dma_wait3A_64, %dma_wait3A_65] : memref<3x64x128xf32, #tpu.memory_space<vmem>> -> memref<1x64x128xf32, #tpu.memory_space<vmem>>
    %dma_wait3A_67 = tpu.memref_squeeze %dma_wait3A_66 : memref<1x64x128xf32, #tpu.memory_space<vmem>> -> memref<64x128xf32, #tpu.memory_space<vmem>>
    %dma_wait3A_68 = arith.constant 0 : i32
    %dma_wait3A_69 = tpu.memref_slice %arg4[%dma_wait3A, %dma_wait3A_68, %mul3A_2] : memref<50x64x4096xf32, #tpu.memory_space<hbm>> -> memref<1x64x128xf32, #tpu.memory_space<hbm>>
    %dma_wait3A_70 = tpu.memref_squeeze %dma_wait3A_69 : memref<1x64x128xf32, #tpu.memory_space<hbm>> -> memref<64x128xf32, #tpu.memory_space<hbm>>
    %dma_wait3A_71 = tpu.memref_slice %arg9[%rem3A_63] : memref<3x!tpu.dma_semaphore, #tpu.memory_space<semaphore_mem>> -> memref<1x!tpu.dma_semaphore, #tpu.memory_space<semaphore_mem>>
    %dma_wait3A_72 = tpu.memref_squeeze %dma_wait3A_71 : memref<1x!tpu.dma_semaphore, #tpu.memory_space<semaphore_mem>> -> memref<!tpu.dma_semaphore, #tpu.memory_space<semaphore_mem>>
    %dma_wait3A_73 = arith.constant 0 : i32
    %dma_wait3A_74 = tpu.memref_slice %arg4[%dma_wait3A, %dma_wait3A_73, %mul3A_2] : memref<50x64x4096xf32, #tpu.memory_space<hbm>> -> memref<1x64x128xf32, #tpu.memory_space<hbm>>
    %dma_wait3A_75 = tpu.memref_squeeze %dma_wait3A_74 : memref<1x64x128xf32, #tpu.memory_space<hbm>> -> memref<64x128xf32, #tpu.memory_space<hbm>>
    %dma_wait3A_76 = arith.constant 0 : i32
    %dma_wait3A_77 = arith.constant 0 : i32
    %dma_wait3A_78 = tpu.memref_slice %arg7[%rem3A_63, %dma_wait3A_76, %dma_wait3A_77] : memref<3x64x128xf32, #tpu.memory_space<vmem>> -> memref<1x64x128xf32, #tpu.memory_space<vmem>>
    %dma_wait3A_79 = tpu.memref_squeeze %dma_wait3A_78 : memref<1x64x128xf32, #tpu.memory_space<vmem>> -> memref<64x128xf32, #tpu.memory_space<vmem>>
    tpu.wait_dma2 semaphore(%dma_wait3A_72 : memref<!tpu.dma_semaphore, #tpu.memory_space<semaphore_mem>>) src(%dma_wait3A_79 : memref<64x128xf32, #tpu.memory_space<vmem>>) dst(%dma_wait3A_75 : memref<64x128xf32, #tpu.memory_space<hbm>>)
    %rem3A_80 = arith.constant 48 : i32
    %rem3A_81 = arith.constant 3 : i32
    %rem3A_82 = arith.remsi %rem3A_80, %rem3A_81 : i32
    %dma_wait3A_83 = arith.constant 48 : i32
    %dma_wait3A_84 = arith.constant 0 : i32
    %dma_wait3A_85 = arith.constant 0 : i32
    %dma_wait3A_86 = tpu.memref_slice %arg7[%rem3A_82, %dma_wait3A_84, %dma_wait3A_85] : memref<3x64x128xf32, #tpu.memory_space<vmem>> -> memref<1x64x128xf32, #tpu.memory_space<vmem>>
    %dma_wait3A_87 = tpu.memref_squeeze %dma_wait3A_86 : memref<1x64x128xf32, #tpu.memory_space<vmem>> -> memref<64x128xf32, #tpu.memory_space<vmem>>
    %dma_wait3A_88 = arith.constant 0 : i32
    %dma_wait3A_89 = tpu.memref_slice %arg4[%dma_wait3A_83, %dma_wait3A_88, %mul3A_2] : memref<50x64x4096xf32, #tpu.memory_space<hbm>> -> memref<1x64x128xf32, #tpu.memory_space<hbm>>
    %dma_wait3A_90 = tpu.memref_squeeze %dma_wait3A_89 : memref<1x64x128xf32, #tpu.memory_space<hbm>> -> memref<64x128xf32, #tpu.memory_space<hbm>>
    %dma_wait3A_91 = tpu.memref_slice %arg9[%rem3A_82] : memref<3x!tpu.dma_semaphore, #tpu.memory_space<semaphore_mem>> -> memref<1x!tpu.dma_semaphore, #tpu.memory_space<semaphore_mem>>
    %dma_wait3A_92 = tpu.memref_squeeze %dma_wait3A_91 : memref<1x!tpu.dma_semaphore, #tpu.memory_space<semaphore_mem>> -> memref<!tpu.dma_semaphore, #tpu.memory_space<semaphore_mem>>
    %dma_wait3A_93 = arith.constant 0 : i32
    %dma_wait3A_94 = tpu.memref_slice %arg4[%dma_wait3A_83, %dma_wait3A_93, %mul3A_2] : memref<50x64x4096xf32, #tpu.memory_space<hbm>> -> memref<1x64x128xf32, #tpu.memory_space<hbm>>
    %dma_wait3A_95 = tpu.memref_squeeze %dma_wait3A_94 : memref<1x64x128xf32, #tpu.memory_space<hbm>> -> memref<64x128xf32, #tpu.memory_space<hbm>>
    %dma_wait3A_96 = arith.constant 0 : i32
    %dma_wait3A_97 = arith.constant 0 : i32
    %dma_wait3A_98 = tpu.memref_slice %arg7[%rem3A_82, %dma_wait3A_96, %dma_wait3A_97] : memref<3x64x128xf32, #tpu.memory_space<vmem>> -> memref<1x64x128xf32, #tpu.memory_space<vmem>>
    %dma_wait3A_99 = tpu.memref_squeeze %dma_wait3A_98 : memref<1x64x128xf32, #tpu.memory_space<vmem>> -> memref<64x128xf32, #tpu.memory_space<vmem>>
    tpu.wait_dma2 semaphore(%dma_wait3A_92 : memref<!tpu.dma_semaphore, #tpu.memory_space<semaphore_mem>>) src(%dma_wait3A_99 : memref<64x128xf32, #tpu.memory_space<vmem>>) dst(%dma_wait3A_95 : memref<64x128xf32, #tpu.memory_space<hbm>>)
    %rem3A_100 = arith.constant 49 : i32
    %rem3A_101 = arith.constant 3 : i32
    %rem3A_102 = arith.remsi %rem3A_100, %rem3A_101 : i32
    %dma_wait3A_103 = arith.constant 49 : i32
    %dma_wait3A_104 = arith.constant 0 : i32
    %dma_wait3A_105 = arith.constant 0 : i32
    %dma_wait3A_106 = tpu.memref_slice %arg7[%rem3A_102, %dma_wait3A_104, %dma_wait3A_105] : memref<3x64x128xf32, #tpu.memory_space<vmem>> -> memref<1x64x128xf32, #tpu.memory_space<vmem>>
    %dma_wait3A_107 = tpu.memref_squeeze %dma_wait3A_106 : memref<1x64x128xf32, #tpu.memory_space<vmem>> -> memref<64x128xf32, #tpu.memory_space<vmem>>
    %dma_wait3A_108 = arith.constant 0 : i32
    %dma_wait3A_109 = tpu.memref_slice %arg4[%dma_wait3A_103, %dma_wait3A_108, %mul3A_2] : memref<50x64x4096xf32, #tpu.memory_space<hbm>> -> memref<1x64x128xf32, #tpu.memory_space<hbm>>
    %dma_wait3A_110 = tpu.memref_squeeze %dma_wait3A_109 : memref<1x64x128xf32, #tpu.memory_space<hbm>> -> memref<64x128xf32, #tpu.memory_space<hbm>>
    %dma_wait3A_111 = tpu.memref_slice %arg9[%rem3A_102] : memref<3x!tpu.dma_semaphore, #tpu.memory_space<semaphore_mem>> -> memref<1x!tpu.dma_semaphore, #tpu.memory_space<semaphore_mem>>
    %dma_wait3A_112 = tpu.memref_squeeze %dma_wait3A_111 : memref<1x!tpu.dma_semaphore, #tpu.memory_space<semaphore_mem>> -> memref<!tpu.dma_semaphore, #tpu.memory_space<semaphore_mem>>
    %dma_wait3A_113 = arith.constant 0 : i32
    %dma_wait3A_114 = tpu.memref_slice %arg4[%dma_wait3A_103, %dma_wait3A_113, %mul3A_2] : memref<50x64x4096xf32, #tpu.memory_space<hbm>> -> memref<1x64x128xf32, #tpu.memory_space<hbm>>
    %dma_wait3A_115 = tpu.memref_squeeze %dma_wait3A_114 : memref<1x64x128xf32, #tpu.memory_space<hbm>> -> memref<64x128xf32, #tpu.memory_space<hbm>>
    %dma_wait3A_116 = arith.constant 0 : i32
    %dma_wait3A_117 = arith.constant 0 : i32
    %dma_wait3A_118 = tpu.memref_slice %arg7[%rem3A_102, %dma_wait3A_116, %dma_wait3A_117] : memref<3x64x128xf32, #tpu.memory_space<vmem>> -> memref<1x64x128xf32, #tpu.memory_space<vmem>>
    %dma_wait3A_119 = tpu.memref_squeeze %dma_wait3A_118 : memref<1x64x128xf32, #tpu.memory_space<vmem>> -> memref<64x128xf32, #tpu.memory_space<vmem>>
    tpu.wait_dma2 semaphore(%dma_wait3A_112 : memref<!tpu.dma_semaphore, #tpu.memory_space<semaphore_mem>>) src(%dma_wait3A_119 : memref<64x128xf32, #tpu.memory_space<vmem>>) dst(%dma_wait3A_115 : memref<64x128xf32, #tpu.memory_space<hbm>>)
    return
  }
}

</mosaic_0001>

<sc_bundles>
// kernel: kernel.3.cloned.1.call-start
scs
__scs_entry_jumppad:
0x0: {  	(pc) =	sbr.rel $0x88, $3  }
0x1: {  	(tag) =	ssettag $0x0;
	lr =	simm.s32 $0x1  }
0x2: {  	[smem:$0x3F9F] =	sst lr;
	_ =	strace $0xD0000000  }
0x3: {  	_ = 	snop  }
0x4: {  	_ = 	snop  }
0x5: {  	_ = 	snop  }
0x6: {  	_ = 	snop  }
0x7: {  	_ = 	snop  }
__scs_overlays_trampoline_lowered:
0x8: {  	[smem:$0x3FAE] =	sst s0  }
0x9: {  	[smem:$0x3FAF] =	sst s1  }
0xa: {  	[smem:$0x3FB0] =	sst s2  }
0xb: {  	[smem:$0x3FB1] =	sst s3  }
0xc: {  	[smem:$0x3FB2] =	sst s4  }
0xd: {  	[smem:$0x3FB3] =	sst s5  }
0xe: {  	[smem:$0x3FB4] =	sst s6  }
0xf: {  	[smem:$0x3FB5] =	sst s7  }
0x10: {  	[smem:$0x3FB6] =	sst s8  }
0x11: {  	[smem:$0x3FB7] =	sst s9;
	s0 =	simm.s32 @!p0 $0x0  }
0x12: {  	s1 =	sld [smem:$0x3F9D];
	s0 =	simm.s32 @p0 $0x1  }
0x13: {  	[smem:$0x3FB8] =	sst s0;
	s0 =	simm.s32 @!p1 $0x0  }
0x14: {  	s2 =	sld [smem:$0x3F9C];
	s0 =	simm.s32 @p1 $0x1  }
0x15: {  	[smem:$0x3FB9] =	sst s0;
	s0 =	simm.s32 @!p2 $0x0  }
0x16: {  	s3 =	sld [smem:$0x3FDB];
	s0 =	simm.s32 @p2 $0x1  }
0x17: {  	s4 =	simm.s32 $0x1BF5;
	[smem:$0x3FBB] =	sst s0  }
0x18: {  	s0 =	sld [smem:$0x3F9E];
	_ =	swait.ge [sflag:s4], $0x0  }
0x19: {  	s7 =	sld [smem:$0x3F9F]  }
0x1a: {  	s8 =	sadd.s32 $0xFFFFE003, lr  }
0x1b: {  	s9 =	sadd.s32 $0xFFFFFEF7, lr;
	s5 =	simm.s32 $0xFFFFFFFF;
	p2 =	slt.u32 s8, $0xFFFFF086  }
0x1c: {  	p1 =	slt.u32 s9, $0xF7A;
	s5 =	simm.s32 @!p2 $0x0  }
0x1d: {  	s5 =	simm.s32 @p1 $0x1;
	p0 =	seq.s32 s7, s2  }
0x1e: {  	s7 =	smul.u32 @!p0 $0xF7A, s2;
	p2 =	seq.s32 @!p0 s5, $0x0  }
0x1f: {  	s9 =	smul.u32 $0xF7A, s1;
	s8 =	simm.s32 @!p0 $0x1BF5;
	p2 =	por !p2, p0  }
0x20: {  	[sflag:s8] =	ssyncset.s32 @!p0 $0xFFFFF086;
	s6 =	sadd.s32 @!p0 s3, s7;
	s7 =	simm.s32 @!p0 $0x108  }
0x21: {  	s3 =	sadd.s32 s3, s9;
	s6 =	sadd.s32 @!p0 $0x88, s6;
	s7 =	simm.s32 @p2 $0x1082  }
0x22: {  	[simem:s7], [sflag:s8] =	dma.local @!p0 [hbm:s6], $0xF7A  }
0x23: {  	s9 =	sor.u32 $0xD0000000, s2;
	s6 =	simm.s32 $0x108;
	_ =	swait.ge @!p0 [sflag:s8], $0x0  }
0x24: {  	s3 =	sadd.s32 $0x88, s3;
	s6 =	simm.s32 @!p1 $0x1082;
	[sflag:s4] =	ssyncset.s32 $0xFFFFF086  }
0x25: {  	[simem:s6], [sflag:s4] =	dma.local [hbm:s3], $0xF7A  }
0x26: {  	[smem:$0x3F9F] =	sst s1;
	(tag) =	ssettag s2;
	_ =	strace s9  }
0x27: {  	s1 =	sld [smem:$0x3FAF]  }
0x28: {  	s2 =	sld [smem:$0x3FB0]  }
0x29: {  	s4 =	sld [smem:$0x3FB2]  }
0x2a: {  	p0 =	seq.s32 s5, $0x0;
	s5 =	sld [smem:$0x3FB3]  }
0x2b: {  	s6 =	sld [smem:$0x3FB4]  }
0x2c: {  	s7 =	sld [smem:$0x3FB5]  }
0x2d: {  	s3 =	simm.s32 $0x108;
	s8 =	sld [smem:$0x3FB6]  }
0x2e: {  	s3 =	simm.s32 @!p0 $0x1082;
	s9 =	sld [smem:$0x3FB7]  }
0x2f: {  	lr =	sadd.s32 s0, s3;
	s0 =	sld [smem:$0x3FAE]  }
0x30: {  	s3 =	sld [smem:$0x3FB1]  }
0x31: {  	[smem:$0x3FBA] =	sst s10  }
0x32: {  	s10 =	sld [smem:$0x3FB8];
	_ =	sdelay $0x3  }
0x33: {  	p0 =	seq.s32 s10, $0x1;
	s10 =	sld [smem:$0x3FBA];
	_ =	sdelay $0x3  }
0x34: {  	[smem:$0x3FBA] =	sst s10  }
0x35: {  	s10 =	sld [smem:$0x3FB9];
	_ =	sdelay $0x3  }
0x36: {  	p1 =	seq.s32 s10, $0x1;
	s10 =	sld [smem:$0x3FBA];
	_ =	sdelay $0x3  }
0x37: {  	[smem:$0x3FBA] =	sst s10  }
0x38: {  	s10 =	sld [smem:$0x3FBB]  }
0x39: {  	_ = 	snop;
	(pc) =	sbr.ind lr, $3  }
0x3a: {  	_ = 	snop  }
0x3b: {  	_ = 	snop  }
0x3c: {  	p2 =	seq.s32 s10, $0x1;
	s10 =	sld [smem:$0x3FBA]  }
0x3d: {  	_ =	shalt  }
0x3e: {  	_ =	shalt  }
0x3f: {  	_ =	shalt  }
0x40: {  	_ =	shalt  }
0x41: {  	_ =	shalt  }
0x42: {  	_ =	shalt  }
0x43: {  	_ =	shalt  }
0x44: {  	_ =	shalt  }
0x45: {  	_ =	shalt  }
0x46: {  	_ =	shalt  }
0x47: {  	_ =	shalt  }
0x48: {  	_ =	shalt  }
0x49: {  	_ =	shalt  }
0x4a: {  	_ =	shalt  }
0x4b: {  	_ =	shalt  }
0x4c: {  	_ =	shalt  }
0x4d: {  	_ =	shalt  }
0x4e: {  	_ =	shalt  }
0x4f: {  	_ =	shalt  }
0x50: {  	_ =	shalt  }
0x51: {  	_ =	shalt  }
0x52: {  	_ =	shalt  }
0x53: {  	_ =	shalt  }
0x54: {  	_ =	shalt  }
0x55: {  	_ =	shalt  }
0x56: {  	_ =	shalt  }
0x57: {  	_ =	shalt  }
0x58: {  	_ =	shalt  }
0x59: {  	_ =	shalt  }
0x5a: {  	_ =	shalt  }
0x5b: {  	_ =	shalt  }
0x5c: {  	_ =	shalt  }
0x5d: {  	_ =	shalt  }
0x5e: {  	_ =	shalt  }
0x5f: {  	_ =	shalt  }
0x60: {  	_ =	shalt  }
0x61: {  	_ =	shalt  }
0x62: {  	_ =	shalt  }
0x63: {  	_ =	shalt  }
0x64: {  	_ =	shalt  }
0x65: {  	_ =	shalt  }
0x66: {  	_ =	shalt  }
0x67: {  	_ =	shalt  }
0x68: {  	_ =	shalt  }
0x69: {  	_ =	shalt  }
0x6a: {  	_ =	shalt  }
0x6b: {  	_ =	shalt  }
0x6c: {  	_ =	shalt  }
0x6d: {  	_ =	shalt  }
0x6e: {  	_ =	shalt  }
0x6f: {  	_ =	shalt  }
0x70: {  	_ =	shalt  }
0x71: {  	_ =	shalt  }
0x72: {  	_ =	shalt  }
0x73: {  	_ =	shalt  }
0x74: {  	_ =	shalt  }
0x75: {  	_ =	shalt  }
0x76: {  	_ =	shalt  }
0x77: {  	_ =	shalt  }
0x78: {  	_ =	shalt  }
0x79: {  	_ =	shalt  }
0x7a: {  	_ =	shalt  }
0x7b: {  	_ =	shalt  }
0x7c: {  	_ =	shalt  }
0x7d: {  	_ =	shalt  }
0x7e: {  	_ =	shalt  }
0x7f: {  	_ =	shalt  }
0x80: {  	_ =	shalt  }
0x81: {  	_ =	shalt  }
0x82: {  	_ =	shalt  }
0x83: {  	_ =	shalt  }
0x84: {  	_ =	shalt  }
0x85: {  	_ =	shalt  }
0x86: {  	_ =	shalt  }
0x87: {  	_ =	shalt  }
.Lfunc_end0:
.L_simem_size_0:
called_computation_lowered:
.L_overlay_start_0:
0x88: {  	s2 =	sld [smem:$0x3FD9]  }
0x89: {  	s3 =	sld [smem:$0x3FFE];
	_ =	sdelay $0x1  }
0x8a: {  	s1 =	srdreg.scid  }
0x8b: {  	s0 =	sand.u32 $0x1, s1  }
0x8c: {  	s17 =	sshll.u32 s0, $0xA;
	s2 =	sadd.s32 s3, s2  }
0x8d: {  	s2 =	sadd.s32 s2, s17  }
0x8e: {  	[smem:$0x3FC6] =	sst s2  }
0x8f: {  	_ = 	snop  }
0x90: {  	s2 =	sld [smem:$0x3FD0];
	(tm) =	ssettm $0x1  }
0x91: {  	s18 =	sld [smem:$0x3FFB];
	_ =	sdelay $0x3  }
0x92: {  	_ =	strace s18  }
0x93: {  	s3 =	sld [smem:$0x3FFC];
	_ =	sdelay $0x3  }
0x94: {  	_ =	strace s3  }
0x95: {  	s3 =	sld [smem:$0x3FFD];
	_ =	sdelay $0x3  }
0x96: {  	_ =	strace s3  }
0x97: {  	_ =	strace $0x8FFFFFFF  }
0x98: {  	s19 =	sld [smem:$0x3FDB];
	_ =	sdelay $0x1  }
0x99: {  	s4 =	simm.s32 $_scs_section_size  }
0x9a: {  	s5 =	simm.s32 $_size__tile_overlayer_lowered;
	s6 =	simm.s32 $_tile_overlayer_lowered  }
0x9b: {  	s22 =	simm.s32 $0x1BFF;
	s21 =	sshll.u32 s6, $0x1;
	s3 =	sadd.s32 s4, s19  }
0x9c: {  	s7 =	simm.s32 $0x0;
	s20 =	sshll.u32 s5, $0x1;
	s5 =	sadd.s32 s21, s3  }
0x9d: {  	[timem:s7], [sflag:s22] =	dma.local [hbm:s5], s20  }
0x9e: {  	_ =	swait.ge [sflag:s22], s20  }
0x9f: {  	s4 =	ssub.s32 $0x0, s20;
	[sflag:s22] =	ssyncset.done $0x0  }
0xa0: {  	[sflag:s22] =	ssyncadd.s32 s4;
	_ =	sdelay $0x1  }
0xa1: {  	s23 =	simm.s32 $0x1B8B  }
0xa2: {  	_ =	swait.ge [sflag:s23], $0x1  }
0xa3: {  	[sflag:s23] =	ssyncset.done $0x0  }
0xa4: {  	s25 =	simm.s32 $0x1B8E;
	s24 =	sld [smem:$0x3FFE];
	[sflag:s23] =	ssyncadd.s32 $0xFFFFFFFF  }
0xa5: {  	s26 =	simm.s32 $execute0_lowered;
	[smem:$0x3FD2] =	sst s25  }
0xa6: {  	s5 =	sshll.u32 s26, $0x1;
	_ =	strace $0x80000046;
	[dreg:$0x1] =	wrdreg $0xFFFFFFFF  }
0xa7: {  	s28 =	simm.s32 $_size_execute0_lowered;
	s3 =	sadd.s32 s3, s5;
	[dreg:$0x0] =	wrdreg $0x0  }
0xa8: {  	s5 =	sshll.u32 s28, $0x1;
	[dreg:$0x2] =	wrdreg s3  }
0xa9: {  	[dreg:$0x3] =	wrdreg s5  }
0xaa: {  	[dreg:$0x4] =	wrdreg $0xC0  }
0xab: {  	_ =	task [dreg:s7], $0x5FFFF  }
0xac: {  	[dreg:$0x1] =	wrdreg $0xFFFFFFFF  }
0xad: {  	[dreg:$0x0] =	wrdreg $0x60  }
0xae: {  	[dreg:$0x2] =	wrdreg s24  }
0xaf: {  	[dreg:$0x3] =	wrdreg s2  }
0xb0: {  	[dreg:$0x4] =	wrdreg $0x9  }
0xb1: {  	_ =	task.clear_ibuf [dreg:s7], $0x5FFFF;
	_ =	strace $0x90000046  }
0xb2: {  	s29 =	simm.s32 $0x9;
	_ =	strace $0x80000048  }
0xb3: {  	_ =	swait.ge [sflag:s29], $0x1  }
0xb4: {  	[sflag:s29] =	ssyncadd.s32 $0xFFFFFFFF  }
0xb5: {  	_ =	strace $0x90000048  }
0xb6: {  	_ =	sfence  }
0xb7: {  	s30 =	sld [smem:$0x0];
	_ =	sdelay $0x2  }
0xb8: {  	s31 =	sshll.u32 s1, $0xD;
	s1 =	sshrl.u32 s1, $0x2  }
0xb9: {  	s3 =	sand.u32 $0x4000, s31;
	s1 =	sadd.s32 s1, s30  }
0xba: {  	s0 =	sor.u32 s3, s0;
	s1 =	sshll.u32 s1, $0x11  }
0xbb: {  	s0 =	sor.u32 s1, s0  }
0xbc: {  	s0 =	sadd.s32 $0x8F2B, s0  }
0xbd: {  	[sflag:s0] =	ssyncadd.remote.s32 $0x1  }
0xbe: {  	_ =	sfence.sel $0xFFFF  }
0xbf: {  	[dreg:$0x0] =	wrdreg $0xFFFFFFFF;
	(pc) =	sbr.abs _section_cstart, $3  }
0xc0: {  	[dreg:$0x1] =	wrdreg $0xFFFFFFFF  }
0xc1: {  	_ =	task.clear_ibuf [dreg:s7], $0x2FFFF;
	_ =	strace $0x9FFFFFFF  }
0xc2: {  	(tm) =	ssettm $0x7FFFFFFF  }
0xc3: {  	_ =	shalt  }
tec
execute0_lowered:
.L_overlay_start_1:
0x0: {  	(tag) =	ssettag $0x1  }
0x1: {  	v5 =	vlaneseq.u32  }
0x2: {  	v4 =	vmul.u32 $0x80, v5;
	v6 =	vor.u32 $0x10, v5;
	v13 =	vor.u32 $0x20, v5  }
0x3: {  	v15 =	vor.u32 $0x30, v5;
	v17 =	vor.u32 $0x40, v5;
	v19 =	vor.u32 $0x50, v5  }
0x4: {  	v21 =	vor.u32 $0x60, v5;
	v23 =	vor.u32 $0x70, v5;
	v25 =	vor.u32 $0x800, v5  }
0x5: {  	v27 =	vor.u32 $0x810, v5;
	v29 =	vor.u32 $0x820, v5;
	v31 =	vor.u32 $0x830, v5  }
0x6: {  	v33 =	vor.u32 $0x840, v5;
	v35 =	vor.u32 $0x850, v5;
	v37 =	vor.u32 $0x860, v5  }
0x7: {  	v39 =	vor.u32 $0x870, v5;
	v41 =	vor.u32 $0x1000, v5;
	v43 =	vor.u32 $0x1010, v5  }
0x8: {  	v45 =	vor.u32 $0x1020, v5;
	v47 =	vor.u32 $0x1030, v5;
	v49 =	vor.u32 $0x1040, v5  }
0x9: {  	v51 =	vor.u32 $0x1050, v5;
	v53 =	vor.u32 $0x1060, v5;
	v55 =	vor.u32 $0x1070, v5  }
0xa: {  	v57 =	vor.u32 $0x1800, v5;
	v59 =	vor.u32 $0x1810, v5;
	v61 =	vor.u32 $0x1820, v5  }
0xb: {  	s3 =	rddreg [dreg:$0x0];
	v63 =	vor.u32 $0x1830, v5;
	v11 =	vor.u32 $0x1840, v5;
	v2 =	vor.u32 $0x1870, v5  }
0xc: {  	s5 =	rddreg [dreg:$0x1];
	s2 =	srdreg.scid;
	v10 =	vor.u32 $0x800, v4;
	v7 =	vor.u32 $0x1000, v4;
	v14 =	vor.u32 $0x1800, v4  }
0xd: {  	s10 =	simm.s32 $0x1C00;
	s4 =	sand.u32 $0x1, s2;
	s2 =	simm.s32 $0x0;
	v16 =	vor.u32 $0x2000, v4;
	v18 =	vor.u32 $0x2800, v4;
	v0 =	vor.u32 $0x1010, v4  }
0xe: {  	s11 =	simm.s32 $0x5C00;
	[smem:$0x7FF] =	sst s2;
	v20 =	vor.u32 $0x3000, v4;
	v22 =	vor.u32 $0x3800, v4;
	v44 =	vor.u32 $0x2830, v4;
	[tilespmem:$0x1FF70] =	vst v0  }
0xf: {  	s0 =	rddreg [dreg:$0x2];
	s1 =	stileid.u32;
	v24 =	vor.u32 $0x10, v4;
	v26 =	vor.u32 $0x810, v4;
	v1 =	vor.u32 $0x3830, v4;
	_ =	strace $0x80000047;
	[tilespmem:$0x1FF80] =	vst v44  }
0x10: {  	s9 =	simm.s32 $0x7;
	s12 =	simm.s32 $0x400;
	s13 =	simm.s32 $0x8000;
	v28 =	vor.u32 $0x1810, v4;
	v30 =	vor.u32 $0x2010, v4;
	v32 =	vor.u32 $0x2810, v4;
	[tilespmem:$0x1FFC0] =	vst v1  }
0x11: {  	s14 =	simm.s32 $0x6;
	s15 =	simm.s32 $0x4;
	s16 =	simm.s32 $0x5;
	v34 =	vor.u32 $0x3010, v4;
	v36 =	vor.u32 $0x3810, v4;
	v38 =	vor.u32 $0x20, v4;
	[tilespmem:$0x1FFD0] =	vst v2  }
0x12: {  	s6 =	sshll.u32 s1, $0x8;
	s7 =	sshll.u32 s4, $0x7;
	s4 =	ssub.s32 $0x2, s4;
	v40 =	vor.u32 $0x820, v4;
	v42 =	vor.u32 $0x1020, v4;
	v46 =	vor.u32 $0x1820, v4;
	[tilespmem:$0x1FFE0] =	vst v6  }
0x13: {  	s17 =	simm.s32 $0x0;
	s6 =	sor.u32 s7, s6;
	v48 =	vor.u32 $0x2020, v4;
	v50 =	vor.u32 $0x2820, v4;
	s8 =	sshrl.u32 s4, $0x1;
	v44 =	vor.u32 $0x1850, v5;
	[tilespmem:$0x1FFF0] =	vst v13  }
0x14: {  	v52 =	vor.u32 $0x3020, v4;
	v54 =	vor.u32 $0x3820, v4;
	s7 =	sshrl.u32 s6, $0x3;
	s8 =	ssub.s32 s4, s8;
	s5 =	sadd.s32 s5, s6;
	[tilespmem:$0x1FF90] =	vst v44;
	v44 =	vor.u32 $0x3030, v4  }
0x15: {  	v56 =	vor.u32 $0x30, v4;
	v58 =	vor.u32 $0x830, v4;
	s7 =	sadd.s32 s7, s3;
	s3 =	sadd.s32 $0x6800, s3;
	s6 =	smax.u32 s8, $0x1;
	[tilespmem:$0x1FFA0] =	vst v44;
	v44 =	vor.u32 $0x1860, v5  }
0x16: {  	v60 =	vor.u32 $0x1030, v4;
	v62 =	vor.u32 $0x1830, v4;
	v9 =	vor.u32 $0x2030, v4;
	s8 =	simm.s32 $0x1000;
	s4 =	sadd.s32 $0x400, s7;
	s7 =	simm.s32 $0x80;
	[tilespmem:$0x1FFB0] =	vst v44  }
.LBB2_1:
0x17: {  	[tilespmem:s2], [sflag:$0x7] =	stream.strided.gather [hbm4b:s4+s7], $0x1900, s8, s7, $0x38;
	[tilespmem:$0x13C00] =	vst v63  }
0x18: {  	_ =	swait.ge [sflag:s9], $0x1900  }
0x19: {  	[sflag:s9] =	ssyncset.done $0x0  }
0x1a: {  	[sflag:s9] =	ssyncadd.s32 $0xFFFFE700  }
0x1b: {  	[tilespmem:s10], [sflag:$0x1] =	stream.indirect.gather [hbm4b:s3+s7], $0x80, s2, s7, $0xb8;
	[tilespmem:$0x13C00] =	vst v63  }
0x1c: {  	s18 =	simm.s32 $0x0  }
0x1d: {  	[tilespmem:s11], [sflag:$0x2] =	stream.indirect.gather [hbm4b:s3+s7], $0x80, s7, s7, $0xb8;
	[tilespmem:$0x13C00] =	vst v63  }
.LBB2_2:
0x1e: {  	s19 =	smul.u32 $0xAB, s18;
	p0 =	sgt.u32 s18, $0x2F  }
0x1f: {  	s20 =	sadd.s32 @!p0 $0x2, s18  }
0x20: {  	s19 =	sshrl.u32 s19, $0x9;
	s21 =	smul.u32 @!p0 $0xAB, s20  }
0x21: {  	s19 =	sand.u32 $0x7F, s19  }
0x22: {  	s19 =	smul.u32 $0x3, s19;
	s21 =	sshrl.u32 @!p0 s21, $0x9  }
0x23: {  	s21 =	sand.u32 @!p0 $0x7F, s21  }
0x24: {  	s19 =	ssub.s32 s18, s19;
	s22 =	smul.u32 @!p0 $0x3, s21  }
0x25: {  	s29 =	simm.s32 $0x0;
	p1 =	slt.u32 @!p0 s18, $0x3;
	s28 =	sand.u32 $0xFF, s19  }
0x26: {  	s19 =	sadd.s32 $0x1, s28;
	s22 =	ssub.s32 @!p0 s20, s22;
	s20 =	sshll.u32 @!p0 s20, $0x7  }
0x27: {  	_ =	swait.ge [sflag:s19], $0x4000;
	s22 =	sand.u32 @!p0 $0xFF, s22;
	s20 =	sand.u32 @!p0 $0x3FFFFF80, s20  }
0x28: {  	v0 =	vadd.s32 s29, v5;
	[sflag:s19] =	ssyncset.done $0x0;
	s23 =	sshll.u32 @!p0 s22, $0xE;
	s22 =	sadd.s32 @!p0 $0x1, s22  }
0x29: {  	v2 =	vand.u32 $0xF, v0;
	[sflag:s19] =	ssyncadd.s32 $0xFFFFC000;
	s19 =	sor.u32 @!p0 $0x1C00, s23;
	s23 =	simm.s32 @!p0 $0x80  }
0x2a: {  	v3 =	vor.u32 v4, v2;
	[tilespmem:s19], [sflag:s22] =	stream.indirect.gather @!p0 [hbm4b:s3+s23], $0x80, s20, s23, $0xb8;
	[tilespmem:$0x13C00] =	vst v63  }
0x2b: {  	p0 =	por p0, !p1;
	s19 =	sadd.s32 $0x4, s28  }
0x2c: {  	_ =	swait.ge @p0 [sflag:s19], $0x2000  }
0x2d: {  	s30 =	sshll.u32 s28, $0xE;
	[sflag:s19] =	ssyncset.done @p0 $0x0  }
0x2e: {  	v1 =	vshll.u32 v2, $0x7;
	s20 =	sor.u32 $0x1C00, s30;
	[sflag:s19] =	ssyncadd.s32 @p0 $0xFFFFE000  }
0x2f: {  	v12 =	vld.idx.msk [tilespmem:v3+s20+$0x0], $0xffff;
	v3 =	vor.u32 v5, v1  }
0x30: {  	v8 =	vmov v15;
	v15 =	vmov v13;
	v13 =	vor.u32 v10, v2;
	_ =	sdelay $0x1  }
0x31: {  	s21 =	sshll.u32 s28, $0xD  }
0x32: {  	s21 =	sadd.s32 $0xDC00, s21  }
0x33: {  	v44 =	vmovc v42;
	v42 =	vmov v40;
	v40 =	vmov v38;
	v38 =	vmov v36;
	[tilespmem:v3+s21+$0x0] =	vst.idx.msk $0xffff, v12  }
0x34: {  	v36 =	vmovc v34;
	v34 =	vmovc v32;
	v32 =	vmov v30;
	v30 =	vmov v28;
	v3 =	vor.u32 v6, v1;
	v28 =	vld.idx.msk [tilespmem:v13+s20+$0x0], $0xffff  }
0x35: {  	v13 =	vmov v6;
	v6 =	vor.u32 v7, v2;
	_ =	sdelay $0x3  }
0x36: {  	[tilespmem:v3+s21+$0x0] =	vst.idx.msk $0xffff, v28  }
0x37: {  	v3 =	vor.u32 v15, v1;
	v6 =	vld.idx.msk [tilespmem:v6+s20+$0x0], $0xffff  }
0x38: {  	v12 =	vmov v7;
	v7 =	vor.u32 v14, v2;
	_ =	sdelay $0x3  }
0x39: {  	[tilespmem:v3+s21+$0x0] =	vst.idx.msk $0xffff, v6  }
0x3a: {  	v3 =	vor.u32 v8, v1;
	v6 =	vld.idx.msk [tilespmem:v7+s20+$0x0], $0xffff  }
0x3b: {  	v7 =	vor.u32 v16, v2;
	_ =	sdelay $0x3  }
0x3c: {  	[tilespmem:v3+s21+$0x0] =	vst.idx.msk $0xffff, v6  }
0x3d: {  	v3 =	vor.u32 v17, v1;
	v6 =	vld.idx.msk [tilespmem:v7+s20+$0x0], $0xffff  }
0x3e: {  	v7 =	vor.u32 v18, v2;
	_ =	sdelay $0x3  }
0x3f: {  	[tilespmem:v3+s21+$0x0] =	vst.idx.msk $0xffff, v6  }
0x40: {  	v3 =	vor.u32 v19, v1;
	v6 =	vld.idx.msk [tilespmem:v7+s20+$0x0], $0xffff  }
0x41: {  	v7 =	vor.u32 v20, v2;
	_ =	sdelay $0x3  }
0x42: {  	[tilespmem:v3+s21+$0x0] =	vst.idx.msk $0xffff, v6  }
0x43: {  	v3 =	vor.u32 v21, v1;
	v6 =	vld.idx.msk [tilespmem:v7+s20+$0x0], $0xffff  }
0x44: {  	v7 =	vor.u32 v22, v2;
	_ =	sdelay $0x3  }
0x45: {  	[tilespmem:v3+s21+$0x0] =	vst.idx.msk $0xffff, v6  }
0x46: {  	v3 =	vor.u32 v23, v1;
	v6 =	vld.idx.msk [tilespmem:v7+s20+$0x0], $0xffff  }
0x47: {  	v7 =	vor.u32 v24, v0;
	_ =	sdelay $0x3  }
0x48: {  	[tilespmem:v3+s21+$0x0] =	vst.idx.msk $0xffff, v6  }
0x49: {  	v3 =	vor.u32 v25, v1;
	v6 =	vld.idx.msk [tilespmem:v7+s20+$0x0], $0xffff  }
0x4a: {  	v7 =	vor.u32 v26, v0  }
0x4b: {  	v28 =	vld [tilespmem:$0x1FF70];
	_ =	sdelay $0x2  }
0x4c: {  	[tilespmem:v3+s21+$0x0] =	vst.idx.msk $0xffff, v6  }
0x4d: {  	v3 =	vor.u32 v27, v1;
	v6 =	vld.idx.msk [tilespmem:v7+s20+$0x0], $0xffff  }
0x4e: {  	v7 =	vor.u32 v28, v0;
	_ =	sdelay $0x3  }
0x4f: {  	[tilespmem:v3+s21+$0x0] =	vst.idx.msk $0xffff, v6  }
0x50: {  	v3 =	vor.u32 v29, v1;
	v6 =	vld.idx.msk [tilespmem:v7+s20+$0x0], $0xffff  }
0x51: {  	v7 =	vor.u32 v30, v0;
	_ =	sdelay $0x3  }
0x52: {  	[tilespmem:v3+s21+$0x0] =	vst.idx.msk $0xffff, v6  }
0x53: {  	v3 =	vor.u32 v31, v1;
	v6 =	vld.idx.msk [tilespmem:v7+s20+$0x0], $0xffff  }
0x54: {  	v7 =	vor.u32 v32, v0;
	_ =	sdelay $0x3  }
0x55: {  	[tilespmem:v3+s21+$0x0] =	vst.idx.msk $0xffff, v6  }
0x56: {  	v3 =	vor.u32 v33, v1;
	v6 =	vld.idx.msk [tilespmem:v7+s20+$0x0], $0xffff  }
0x57: {  	v7 =	vor.u32 v34, v0;
	_ =	sdelay $0x3  }
0x58: {  	[tilespmem:v3+s21+$0x0] =	vst.idx.msk $0xffff, v6  }
0x59: {  	v3 =	vor.u32 v35, v1;
	v6 =	vld.idx.msk [tilespmem:v7+s20+$0x0], $0xffff  }
0x5a: {  	v7 =	vor.u32 v36, v0;
	_ =	sdelay $0x3  }
0x5b: {  	[tilespmem:v3+s21+$0x0] =	vst.idx.msk $0xffff, v6  }
0x5c: {  	v3 =	vor.u32 v37, v1;
	v6 =	vld.idx.msk [tilespmem:v7+s20+$0x0], $0xffff  }
0x5d: {  	v7 =	vor.u32 v38, v0;
	_ =	sdelay $0x3  }
0x5e: {  	[tilespmem:v3+s21+$0x0] =	vst.idx.msk $0xffff, v6  }
0x5f: {  	v3 =	vor.u32 v39, v1;
	v6 =	vld.idx.msk [tilespmem:v7+s20+$0x0], $0xffff  }
0x60: {  	v7 =	vor.u32 v40, v2;
	_ =	sdelay $0x3  }
0x61: {  	[tilespmem:v3+s21+$0x0] =	vst.idx.msk $0xffff, v6  }
0x62: {  	v3 =	vor.u32 v41, v1;
	v6 =	vld.idx.msk [tilespmem:v7+s20+$0x0], $0xffff  }
0x63: {  	v7 =	vor.u32 v42, v2;
	_ =	sdelay $0x3  }
0x64: {  	[tilespmem:v3+s21+$0x0] =	vst.idx.msk $0xffff, v6  }
0x65: {  	v3 =	vor.u32 v43, v1;
	v6 =	vld.idx.msk [tilespmem:v7+s20+$0x0], $0xffff  }
0x66: {  	v7 =	vor.u32 v44, v2;
	_ =	sdelay $0x3  }
0x67: {  	[tilespmem:v3+s21+$0x0] =	vst.idx.msk $0xffff, v6  }
0x68: {  	v3 =	vor.u32 v45, v1;
	v6 =	vld.idx.msk [tilespmem:v7+s20+$0x0], $0xffff  }
0x69: {  	v7 =	vor.u32 v46, v2;
	_ =	sdelay $0x3  }
0x6a: {  	[tilespmem:v3+s21+$0x0] =	vst.idx.msk $0xffff, v6  }
0x6b: {  	v3 =	vor.u32 v47, v1;
	v6 =	vld.idx.msk [tilespmem:v7+s20+$0x0], $0xffff  }
0x6c: {  	v7 =	vor.u32 v48, v2;
	_ =	sdelay $0x3  }
0x6d: {  	[tilespmem:v3+s21+$0x0] =	vst.idx.msk $0xffff, v6  }
0x6e: {  	v3 =	vor.u32 v49, v1;
	v6 =	vld.idx.msk [tilespmem:v7+s20+$0x0], $0xffff  }
0x6f: {  	v7 =	vor.u32 v50, v2;
	_ =	sdelay $0x3  }
0x70: {  	[tilespmem:v3+s21+$0x0] =	vst.idx.msk $0xffff, v6  }
0x71: {  	v3 =	vor.u32 v51, v1;
	v6 =	vld.idx.msk [tilespmem:v7+s20+$0x0], $0xffff  }
0x72: {  	v7 =	vor.u32 v52, v2;
	_ =	sdelay $0x3  }
0x73: {  	[tilespmem:v3+s21+$0x0] =	vst.idx.msk $0xffff, v6  }
0x74: {  	v3 =	vor.u32 v53, v1;
	v6 =	vld.idx.msk [tilespmem:v7+s20+$0x0], $0xffff  }
0x75: {  	v2 =	vor.u32 v54, v2;
	_ =	sdelay $0x3  }
0x76: {  	[tilespmem:v3+s21+$0x0] =	vst.idx.msk $0xffff, v6  }
0x77: {  	v3 =	vor.u32 v55, v1;
	v6 =	vld.idx.msk [tilespmem:v2+s20+$0x0], $0xffff  }
0x78: {  	v2 =	vor.u32 v56, v0;
	_ =	sdelay $0x3  }
0x79: {  	[tilespmem:v3+s21+$0x0] =	vst.idx.msk $0xffff, v6  }
0x7a: {  	v3 =	vor.u32 v57, v1;
	v6 =	vld.idx.msk [tilespmem:v2+s20+$0x0], $0xffff  }
0x7b: {  	v2 =	vor.u32 v58, v0;
	_ =	sdelay $0x3  }
0x7c: {  	[tilespmem:v3+s21+$0x0] =	vst.idx.msk $0xffff, v6  }
0x7d: {  	v3 =	vor.u32 v59, v1;
	v6 =	vld.idx.msk [tilespmem:v2+s20+$0x0], $0xffff  }
0x7e: {  	v2 =	vor.u32 v60, v0;
	_ =	sdelay $0x3  }
0x7f: {  	[tilespmem:v3+s21+$0x0] =	vst.idx.msk $0xffff, v6  }
0x80: {  	v3 =	vor.u32 v61, v1;
	v6 =	vld.idx.msk [tilespmem:v2+s20+$0x0], $0xffff  }
0x81: {  	v2 =	vor.u32 v62, v0;
	_ =	sdelay $0x3  }
0x82: {  	[tilespmem:v3+s21+$0x0] =	vst.idx.msk $0xffff, v6  }
0x83: {  	v3 =	vor.u32 v63, v1;
	v6 =	vld.idx.msk [tilespmem:v2+s20+$0x0], $0xffff  }
0x84: {  	v2 =	vor.u32 v9, v0;
	_ =	sdelay $0x3  }
0x85: {  	[tilespmem:v3+s21+$0x0] =	vst.idx.msk $0xffff, v6  }
0x86: {  	v6 =	vld.idx.msk [tilespmem:v2+s20+$0x0], $0xffff  }
0x87: {  	v2 =	vld [tilespmem:$0x1FF80];
	_ =	sdelay $0x3  }
0x88: {  	v3 =	vor.u32 v11, v1  }
0x89: {  	v2 =	vor.u32 v2, v0  }
0x8a: {  	v7 =	vmov v9;
	v9 =	vld [tilespmem:$0x1FF90];
	_ =	sdelay $0x2  }
0x8b: {  	[tilespmem:v3+s21+$0x0] =	vst.idx.msk $0xffff, v6  }
0x8c: {  	v6 =	vld.idx.msk [tilespmem:v2+s20+$0x0], $0xffff  }
0x8d: {  	v3 =	vor.u32 v9, v1;
	v2 =	vld [tilespmem:$0x1FFA0];
	_ =	sdelay $0x4  }
0x8e: {  	v2 =	vor.u32 v2, v0;
	[tilespmem:v3+s21+$0x0] =	vst.idx.msk $0xffff, v6;
	v3 =	vld [tilespmem:$0x1FFB0]  }
0x8f: {  	v6 =	vld [tilespmem:$0x1FFC0];
	_ =	sdelay $0x3  }
0x90: {  	v2 =	vld.idx.msk [tilespmem:v2+s20+$0x0], $0xffff;
	v3 =	vor.u32 v3, v1  }
0x91: {  	v6 =	vor.u32 v6, v0  }
0x92: {  	v9 =	vld [tilespmem:$0x1FFD0];
	_ =	sdelay $0x2  }
0x93: {  	s31 =	simm.s32 $0x1;
	v15 =	vmov v8;
	v8 =	vmov v11;
	v11 =	vmov v13;
	v13 =	vld [tilespmem:$0x1FFF0];
	[tilespmem:v3+s21+$0x0] =	vst.idx.msk $0xffff, v2  }
0x94: {  	s22 =	simm.s32 $0x2;
	v0 =	vadd.s32 s31, v5;
	v3 =	vld.idx.msk [tilespmem:v6+s20+$0x0], $0xffff  }
.LBB2_3:
0x95: {  	v2 =	vand.u32 $0xF, v0;
	v1 =	vor.u32 v9, v1  }
0x96: {  	v6 =	vmov v4;
	v4 =	vor.u32 v4, v2;
	_ =	sdelay $0x3  }
0x97: {  	[tilespmem:v1+s21+$0x0] =	vst.idx.msk $0xffff, v3;
	v1 =	vshll.u32 v2, $0x7  }
0x98: {  	v3 =	vld.idx.msk [tilespmem:v4+s20+$0x0], $0xffff;
	v4 =	vor.u32 v5, v1  }
0x99: {  	v5 =	vor.u32 v10, v2;
	_ =	sdelay $0x3  }
0x9a: {  	[tilespmem:v4+s21+$0x0] =	vst.idx.msk $0xffff, v3  }
0x9b: {  	v4 =	vor.u32 v11, v1;
	v3 =	vld.idx.msk [tilespmem:v5+s20+$0x0], $0xffff  }
0x9c: {  	v5 =	vor.u32 v12, v2;
	_ =	sdelay $0x3  }
0x9d: {  	[tilespmem:v4+s21+$0x0] =	vst.idx.msk $0xffff, v3  }
0x9e: {  	v4 =	vor.u32 v13, v1;
	v3 =	vld.idx.msk [tilespmem:v5+s20+$0x0], $0xffff  }
0x9f: {  	v5 =	vor.u32 v14, v2;
	_ =	sdelay $0x3  }
0xa0: {  	[tilespmem:v4+s21+$0x0] =	vst.idx.msk $0xffff, v3  }
0xa1: {  	v4 =	vor.u32 v15, v1;
	v3 =	vld.idx.msk [tilespmem:v5+s20+$0x0], $0xffff  }
0xa2: {  	v5 =	vor.u32 v16, v2;
	_ =	sdelay $0x3  }
0xa3: {  	[tilespmem:v4+s21+$0x0] =	vst.idx.msk $0xffff, v3  }
0xa4: {  	v4 =	vor.u32 v17, v1;
	v3 =	vld.idx.msk [tilespmem:v5+s20+$0x0], $0xffff  }
0xa5: {  	v5 =	vor.u32 v18, v2;
	_ =	sdelay $0x3  }
0xa6: {  	[tilespmem:v4+s21+$0x0] =	vst.idx.msk $0xffff, v3  }
0xa7: {  	v4 =	vor.u32 v19, v1;
	v3 =	vld.idx.msk [tilespmem:v5+s20+$0x0], $0xffff  }
0xa8: {  	v5 =	vor.u32 v20, v2;
	_ =	sdelay $0x3  }
0xa9: {  	[tilespmem:v4+s21+$0x0] =	vst.idx.msk $0xffff, v3  }
0xaa: {  	v4 =	vor.u32 v21, v1;
	v3 =	vld.idx.msk [tilespmem:v5+s20+$0x0], $0xffff  }
0xab: {  	v5 =	vor.u32 v22, v2;
	_ =	sdelay $0x3  }
0xac: {  	[tilespmem:v4+s21+$0x0] =	vst.idx.msk $0xffff, v3  }
0xad: {  	v4 =	vor.u32 v23, v1;
	v3 =	vld.idx.msk [tilespmem:v5+s20+$0x0], $0xffff  }
0xae: {  	v5 =	vor.u32 v24, v0;
	_ =	sdelay $0x3  }
0xaf: {  	[tilespmem:v4+s21+$0x0] =	vst.idx.msk $0xffff, v3  }
0xb0: {  	v4 =	vor.u32 v25, v1;
	v3 =	vld.idx.msk [tilespmem:v5+s20+$0x0], $0xffff  }
0xb1: {  	v5 =	vor.u32 v26, v0;
	_ =	sdelay $0x3  }
0xb2: {  	[tilespmem:v4+s21+$0x0] =	vst.idx.msk $0xffff, v3  }
0xb3: {  	v4 =	vor.u32 v27, v1;
	v3 =	vld.idx.msk [tilespmem:v5+s20+$0x0], $0xffff  }
0xb4: {  	v5 =	vor.u32 v28, v0;
	_ =	sdelay $0x3  }
0xb5: {  	[tilespmem:v4+s21+$0x0] =	vst.idx.msk $0xffff, v3  }
0xb6: {  	v4 =	vor.u32 v29, v1;
	v3 =	vld.idx.msk [tilespmem:v5+s20+$0x0], $0xffff  }
0xb7: {  	v5 =	vor.u32 v30, v0;
	_ =	sdelay $0x3  }
0xb8: {  	[tilespmem:v4+s21+$0x0] =	vst.idx.msk $0xffff, v3  }
0xb9: {  	v4 =	vor.u32 v31, v1;
	v3 =	vld.idx.msk [tilespmem:v5+s20+$0x0], $0xffff  }
0xba: {  	v5 =	vor.u32 v32, v0;
	_ =	sdelay $0x3  }
0xbb: {  	[tilespmem:v4+s21+$0x0] =	vst.idx.msk $0xffff, v3  }
0xbc: {  	v4 =	vor.u32 v33, v1;
	v3 =	vld.idx.msk [tilespmem:v5+s20+$0x0], $0xffff  }
0xbd: {  	v5 =	vor.u32 v34, v0;
	_ =	sdelay $0x3  }
0xbe: {  	[tilespmem:v4+s21+$0x0] =	vst.idx.msk $0xffff, v3  }
0xbf: {  	v4 =	vor.u32 v35, v1;
	v3 =	vld.idx.msk [tilespmem:v5+s20+$0x0], $0xffff  }
0xc0: {  	v5 =	vor.u32 v36, v0;
	_ =	sdelay $0x3  }
0xc1: {  	[tilespmem:v4+s21+$0x0] =	vst.idx.msk $0xffff, v3  }
0xc2: {  	v4 =	vor.u32 v37, v1;
	v3 =	vld.idx.msk [tilespmem:v5+s20+$0x0], $0xffff  }
0xc3: {  	v5 =	vor.u32 v38, v0;
	_ =	sdelay $0x3  }
0xc4: {  	[tilespmem:v4+s21+$0x0] =	vst.idx.msk $0xffff, v3  }
0xc5: {  	v4 =	vor.u32 v39, v1;
	v3 =	vld.idx.msk [tilespmem:v5+s20+$0x0], $0xffff  }
0xc6: {  	v5 =	vor.u32 v40, v2;
	_ =	sdelay $0x3  }
0xc7: {  	[tilespmem:v4+s21+$0x0] =	vst.idx.msk $0xffff, v3  }
0xc8: {  	v4 =	vor.u32 v41, v1;
	v3 =	vld.idx.msk [tilespmem:v5+s20+$0x0], $0xffff  }
0xc9: {  	v5 =	vor.u32 v42, v2;
	_ =	sdelay $0x3  }
0xca: {  	[tilespmem:v4+s21+$0x0] =	vst.idx.msk $0xffff, v3  }
0xcb: {  	v4 =	vor.u32 v43, v1;
	v3 =	vld.idx.msk [tilespmem:v5+s20+$0x0], $0xffff  }
0xcc: {  	v5 =	vor.u32 v44, v2;
	_ =	sdelay $0x3  }
0xcd: {  	[tilespmem:v4+s21+$0x0] =	vst.idx.msk $0xffff, v3  }
0xce: {  	v4 =	vor.u32 v45, v1;
	v3 =	vld.idx.msk [tilespmem:v5+s20+$0x0], $0xffff  }
0xcf: {  	v5 =	vor.u32 v46, v2;
	_ =	sdelay $0x3  }
0xd0: {  	[tilespmem:v4+s21+$0x0] =	vst.idx.msk $0xffff, v3  }
0xd1: {  	v4 =	vor.u32 v47, v1;
	v3 =	vld.idx.msk [tilespmem:v5+s20+$0x0], $0xffff  }
0xd2: {  	v5 =	vor.u32 v48, v2;
	_ =	sdelay $0x3  }
0xd3: {  	[tilespmem:v4+s21+$0x0] =	vst.idx.msk $0xffff, v3  }
0xd4: {  	v4 =	vor.u32 v49, v1;
	v3 =	vld.idx.msk [tilespmem:v5+s20+$0x0], $0xffff  }
0xd5: {  	v5 =	vor.u32 v50, v2;
	_ =	sdelay $0x3  }
0xd6: {  	[tilespmem:v4+s21+$0x0] =	vst.idx.msk $0xffff, v3  }
0xd7: {  	v4 =	vor.u32 v51, v1;
	v3 =	vld.idx.msk [tilespmem:v5+s20+$0x0], $0xffff  }
0xd8: {  	v5 =	vor.u32 v52, v2;
	_ =	sdelay $0x3  }
0xd9: {  	[tilespmem:v4+s21+$0x0] =	vst.idx.msk $0xffff, v3  }
0xda: {  	v4 =	vor.u32 v53, v1;
	v3 =	vld.idx.msk [tilespmem:v5+s20+$0x0], $0xffff  }
0xdb: {  	v2 =	vor.u32 v54, v2;
	_ =	sdelay $0x3  }
0xdc: {  	[tilespmem:v4+s21+$0x0] =	vst.idx.msk $0xffff, v3  }
0xdd: {  	v3 =	vor.u32 v55, v1;
	v2 =	vld.idx.msk [tilespmem:v2+s20+$0x0], $0xffff  }
0xde: {  	v4 =	vor.u32 v56, v0;
	_ =	sdelay $0x3  }
0xdf: {  	[tilespmem:v3+s21+$0x0] =	vst.idx.msk $0xffff, v2  }
0xe0: {  	v3 =	vor.u32 v57, v1;
	v2 =	vld.idx.msk [tilespmem:v4+s20+$0x0], $0xffff  }
0xe1: {  	v4 =	vor.u32 v58, v0;
	_ =	sdelay $0x3  }
0xe2: {  	[tilespmem:v3+s21+$0x0] =	vst.idx.msk $0xffff, v2  }
0xe3: {  	v3 =	vor.u32 v59, v1;
	v2 =	vld.idx.msk [tilespmem:v4+s20+$0x0], $0xffff  }
0xe4: {  	v4 =	vor.u32 v60, v0;
	_ =	sdelay $0x3  }
0xe5: {  	[tilespmem:v3+s21+$0x0] =	vst.idx.msk $0xffff, v2  }
0xe6: {  	v3 =	vor.u32 v61, v1;
	v2 =	vld.idx.msk [tilespmem:v4+s20+$0x0], $0xffff  }
0xe7: {  	v4 =	vor.u32 v62, v0;
	_ =	sdelay $0x3  }
0xe8: {  	[tilespmem:v3+s21+$0x0] =	vst.idx.msk $0xffff, v2  }
0xe9: {  	v3 =	vor.u32 v63, v1;
	v2 =	vld.idx.msk [tilespmem:v4+s20+$0x0], $0xffff  }
0xea: {  	v4 =	vor.u32 v7, v0;
	_ =	sdelay $0x3  }
0xeb: {  	[tilespmem:v3+s21+$0x0] =	vst.idx.msk $0xffff, v2  }
0xec: {  	v2 =	vld.idx.msk [tilespmem:v4+s20+$0x0], $0xffff  }
0xed: {  	v4 =	vld [tilespmem:$0x1FF80];
	_ =	sdelay $0x3  }
0xee: {  	v3 =	vor.u32 v8, v1  }
0xef: {  	v4 =	vor.u32 v4, v0;
	_ =	sdelay $0x3  }
0xf0: {  	[tilespmem:v3+s21+$0x0] =	vst.idx.msk $0xffff, v2;
	v3 =	vld [tilespmem:$0x1FF90]  }
0xf1: {  	v2 =	vld.idx.msk [tilespmem:v4+s20+$0x0], $0xffff  }
0xf2: {  	v4 =	vld [tilespmem:$0x1FFA0];
	_ =	sdelay $0x3  }
0xf3: {  	v3 =	vor.u32 v3, v1  }
0xf4: {  	v4 =	vor.u32 v4, v0;
	_ =	sdelay $0x3  }
0xf5: {  	[tilespmem:v3+s21+$0x0] =	vst.idx.msk $0xffff, v2;
	v3 =	vld [tilespmem:$0x1FFB0]  }
0xf6: {  	v2 =	vld.idx.msk [tilespmem:v4+s20+$0x0], $0xffff  }
0xf7: {  	v4 =	vld [tilespmem:$0x1FFC0];
	_ =	sdelay $0x3  }
0xf8: {  	v3 =	vor.u32 v3, v1  }
0xf9: {  	p0 =	sne.s32 s22, $0xF;
	v4 =	vor.u32 v4, v0  }
.Ltmp0:
0xfa: {  	_ = 	snop;
	(pc) =	sbr.rel @p0 .LBB2_3-.Ltmp0, $3  }
0xfb: {  	_ =	sdelay $0x1  }
0xfc: {  	v5 =	vlaneseq.u32;
	[tilespmem:v3+s21+$0x0] =	vst.idx.msk $0xffff, v2  }
0xfd: {  	v0 =	vadd.s32 s22, v5;
	s22 =	sadd.s32 $0x1, s22;
	v3 =	vld.idx.msk [tilespmem:v4+s20+$0x0], $0xffff;
	v4 =	vmov v6  }
0xfe: {  	v2 =	vand.u32 $0xF, v0;
	v1 =	vor.u32 v9, v1  }
0xff: {  	v4 =	vor.u32 v6, v2;
	_ =	sdelay $0x3  }
0x100: {  	[tilespmem:v1+s21+$0x0] =	vst.idx.msk $0xffff, v3;
	v1 =	vshll.u32 v2, $0x7  }
0x101: {  	v3 =	vld.idx.msk [tilespmem:v4+s20+$0x0], $0xffff;
	v4 =	vor.u32 v5, v1  }
0x102: {  	v5 =	vor.u32 v10, v2;
	_ =	sdelay $0x3  }
0x103: {  	[tilespmem:v4+s21+$0x0] =	vst.idx.msk $0xffff, v3  }
0x104: {  	v4 =	vor.u32 v11, v1;
	v3 =	vld.idx.msk [tilespmem:v5+s20+$0x0], $0xffff  }
0x105: {  	v5 =	vor.u32 v12, v2;
	_ =	sdelay $0x3  }
0x106: {  	[tilespmem:v4+s21+$0x0] =	vst.idx.msk $0xffff, v3  }
0x107: {  	v4 =	vor.u32 v13, v1;
	v3 =	vld.idx.msk [tilespmem:v5+s20+$0x0], $0xffff  }
0x108: {  	v5 =	vor.u32 v14, v2;
	_ =	sdelay $0x3  }
0x109: {  	[tilespmem:v4+s21+$0x0] =	vst.idx.msk $0xffff, v3  }
0x10a: {  	v4 =	vor.u32 v15, v1;
	v3 =	vld.idx.msk [tilespmem:v5+s20+$0x0], $0xffff  }
0x10b: {  	v5 =	vor.u32 v16, v2;
	_ =	sdelay $0x3  }
0x10c: {  	[tilespmem:v4+s21+$0x0] =	vst.idx.msk $0xffff, v3  }
0x10d: {  	v4 =	vor.u32 v17, v1;
	v3 =	vld.idx.msk [tilespmem:v5+s20+$0x0], $0xffff  }
0x10e: {  	v5 =	vor.u32 v18, v2;
	_ =	sdelay $0x3  }
0x10f: {  	[tilespmem:v4+s21+$0x0] =	vst.idx.msk $0xffff, v3  }
0x110: {  	v4 =	vor.u32 v19, v1;
	v3 =	vld.idx.msk [tilespmem:v5+s20+$0x0], $0xffff  }
0x111: {  	v5 =	vor.u32 v20, v2;
	_ =	sdelay $0x3  }
0x112: {  	[tilespmem:v4+s21+$0x0] =	vst.idx.msk $0xffff, v3  }
0x113: {  	v4 =	vor.u32 v21, v1;
	v3 =	vld.idx.msk [tilespmem:v5+s20+$0x0], $0xffff  }
0x114: {  	v5 =	vor.u32 v22, v2;
	_ =	sdelay $0x3  }
0x115: {  	[tilespmem:v4+s21+$0x0] =	vst.idx.msk $0xffff, v3  }
0x116: {  	v4 =	vor.u32 v23, v1;
	v3 =	vld.idx.msk [tilespmem:v5+s20+$0x0], $0xffff  }
0x117: {  	v5 =	vor.u32 v24, v0;
	_ =	sdelay $0x3  }
0x118: {  	[tilespmem:v4+s21+$0x0] =	vst.idx.msk $0xffff, v3  }
0x119: {  	v4 =	vor.u32 v25, v1;
	v3 =	vld.idx.msk [tilespmem:v5+s20+$0x0], $0xffff  }
0x11a: {  	v5 =	vor.u32 v26, v0;
	_ =	sdelay $0x3  }
0x11b: {  	[tilespmem:v4+s21+$0x0] =	vst.idx.msk $0xffff, v3  }
0x11c: {  	v4 =	vor.u32 v27, v1;
	v3 =	vld.idx.msk [tilespmem:v5+s20+$0x0], $0xffff  }
0x11d: {  	v5 =	vor.u32 v28, v0;
	_ =	sdelay $0x3  }
0x11e: {  	[tilespmem:v4+s21+$0x0] =	vst.idx.msk $0xffff, v3  }
0x11f: {  	v4 =	vor.u32 v29, v1;
	v3 =	vld.idx.msk [tilespmem:v5+s20+$0x0], $0xffff  }
0x120: {  	v5 =	vor.u32 v30, v0;
	_ =	sdelay $0x3  }
0x121: {  	[tilespmem:v4+s21+$0x0] =	vst.idx.msk $0xffff, v3  }
0x122: {  	v4 =	vor.u32 v31, v1;
	v3 =	vld.idx.msk [tilespmem:v5+s20+$0x0], $0xffff  }
0x123: {  	v5 =	vor.u32 v32, v0;
	_ =	sdelay $0x3  }
0x124: {  	[tilespmem:v4+s21+$0x0] =	vst.idx.msk $0xffff, v3  }
0x125: {  	v4 =	vor.u32 v33, v1;
	v3 =	vld.idx.msk [tilespmem:v5+s20+$0x0], $0xffff  }
0x126: {  	v5 =	vor.u32 v34, v0;
	_ =	sdelay $0x3  }
0x127: {  	[tilespmem:v4+s21+$0x0] =	vst.idx.msk $0xffff, v3  }
0x128: {  	v4 =	vor.u32 v35, v1;
	v3 =	vld.idx.msk [tilespmem:v5+s20+$0x0], $0xffff  }
0x129: {  	v5 =	vor.u32 v36, v0;
	_ =	sdelay $0x3  }
0x12a: {  	[tilespmem:v4+s21+$0x0] =	vst.idx.msk $0xffff, v3  }
0x12b: {  	v4 =	vor.u32 v37, v1;
	v3 =	vld.idx.msk [tilespmem:v5+s20+$0x0], $0xffff  }
0x12c: {  	v5 =	vor.u32 v38, v0;
	_ =	sdelay $0x3  }
0x12d: {  	[tilespmem:v4+s21+$0x0] =	vst.idx.msk $0xffff, v3  }
0x12e: {  	v4 =	vor.u32 v39, v1;
	v3 =	vld.idx.msk [tilespmem:v5+s20+$0x0], $0xffff  }
0x12f: {  	v5 =	vor.u32 v40, v2;
	_ =	sdelay $0x3  }
0x130: {  	[tilespmem:v4+s21+$0x0] =	vst.idx.msk $0xffff, v3  }
0x131: {  	v4 =	vor.u32 v41, v1;
	v3 =	vld.idx.msk [tilespmem:v5+s20+$0x0], $0xffff  }
0x132: {  	v5 =	vor.u32 v42, v2;
	_ =	sdelay $0x3  }
0x133: {  	[tilespmem:v4+s21+$0x0] =	vst.idx.msk $0xffff, v3  }
0x134: {  	v4 =	vor.u32 v43, v1;
	v3 =	vld.idx.msk [tilespmem:v5+s20+$0x0], $0xffff  }
0x135: {  	v5 =	vor.u32 v44, v2;
	_ =	sdelay $0x3  }
0x136: {  	[tilespmem:v4+s21+$0x0] =	vst.idx.msk $0xffff, v3  }
0x137: {  	v4 =	vor.u32 v45, v1;
	v3 =	vld.idx.msk [tilespmem:v5+s20+$0x0], $0xffff  }
0x138: {  	v5 =	vor.u32 v46, v2;
	_ =	sdelay $0x3  }
0x139: {  	[tilespmem:v4+s21+$0x0] =	vst.idx.msk $0xffff, v3  }
0x13a: {  	v4 =	vor.u32 v47, v1;
	v3 =	vld.idx.msk [tilespmem:v5+s20+$0x0], $0xffff  }
0x13b: {  	v5 =	vor.u32 v48, v2;
	_ =	sdelay $0x3  }
0x13c: {  	[tilespmem:v4+s21+$0x0] =	vst.idx.msk $0xffff, v3  }
0x13d: {  	v4 =	vor.u32 v49, v1;
	v3 =	vld.idx.msk [tilespmem:v5+s20+$0x0], $0xffff  }
0x13e: {  	v5 =	vor.u32 v50, v2;
	_ =	sdelay $0x3  }
0x13f: {  	[tilespmem:v4+s21+$0x0] =	vst.idx.msk $0xffff, v3  }
0x140: {  	v4 =	vor.u32 v51, v1;
	v3 =	vld.idx.msk [tilespmem:v5+s20+$0x0], $0xffff  }
0x141: {  	v5 =	vor.u32 v52, v2;
	_ =	sdelay $0x3  }
0x142: {  	[tilespmem:v4+s21+$0x0] =	vst.idx.msk $0xffff, v3  }
0x143: {  	v4 =	vor.u32 v53, v1;
	v3 =	vld.idx.msk [tilespmem:v5+s20+$0x0], $0xffff  }
0x144: {  	v2 =	vor.u32 v54, v2;
	_ =	sdelay $0x3  }
0x145: {  	[tilespmem:v4+s21+$0x0] =	vst.idx.msk $0xffff, v3  }
0x146: {  	v3 =	vor.u32 v55, v1;
	v2 =	vld.idx.msk [tilespmem:v2+s20+$0x0], $0xffff  }
0x147: {  	v4 =	vor.u32 v56, v0;
	_ =	sdelay $0x3  }
0x148: {  	[tilespmem:v3+s21+$0x0] =	vst.idx.msk $0xffff, v2  }
0x149: {  	v3 =	vor.u32 v57, v1;
	v2 =	vld.idx.msk [tilespmem:v4+s20+$0x0], $0xffff  }
0x14a: {  	v4 =	vor.u32 v58, v0;
	_ =	sdelay $0x3  }
0x14b: {  	[tilespmem:v3+s21+$0x0] =	vst.idx.msk $0xffff, v2  }
0x14c: {  	v3 =	vor.u32 v59, v1;
	v2 =	vld.idx.msk [tilespmem:v4+s20+$0x0], $0xffff  }
0x14d: {  	v4 =	vor.u32 v60, v0;
	_ =	sdelay $0x3  }
0x14e: {  	[tilespmem:v3+s21+$0x0] =	vst.idx.msk $0xffff, v2  }
0x14f: {  	v3 =	vor.u32 v61, v1;
	v2 =	vld.idx.msk [tilespmem:v4+s20+$0x0], $0xffff  }
0x150: {  	v4 =	vor.u32 v62, v0;
	_ =	sdelay $0x3  }
0x151: {  	[tilespmem:v3+s21+$0x0] =	vst.idx.msk $0xffff, v2  }
0x152: {  	v3 =	vor.u32 v63, v1;
	v2 =	vld.idx.msk [tilespmem:v4+s20+$0x0], $0xffff  }
0x153: {  	v4 =	vor.u32 v7, v0;
	_ =	sdelay $0x3  }
0x154: {  	[tilespmem:v3+s21+$0x0] =	vst.idx.msk $0xffff, v2  }
0x155: {  	v2 =	vld.idx.msk [tilespmem:v4+s20+$0x0], $0xffff  }
0x156: {  	v4 =	vld [tilespmem:$0x1FF80];
	_ =	sdelay $0x3  }
0x157: {  	v3 =	vor.u32 v8, v1  }
0x158: {  	v4 =	vor.u32 v4, v0;
	_ =	sdelay $0x3  }
0x159: {  	[tilespmem:v3+s21+$0x0] =	vst.idx.msk $0xffff, v2;
	v3 =	vld [tilespmem:$0x1FF90]  }
0x15a: {  	v2 =	vld.idx.msk [tilespmem:v4+s20+$0x0], $0xffff  }
0x15b: {  	v4 =	vld [tilespmem:$0x1FFA0];
	_ =	sdelay $0x3  }
0x15c: {  	v3 =	vor.u32 v3, v1  }
0x15d: {  	v9 =	vmov v12;
	v12 =	vmov v7;
	v7 =	vld [tilespmem:$0x1FFB0];
	v4 =	vor.u32 v4, v0;
	_ =	sdelay $0x3  }
0x15e: {  	v11 =	vmov v8;
	v8 =	vld [tilespmem:$0x1FFC0];
	[tilespmem:v3+s21+$0x0] =	vst.idx.msk $0xffff, v2  }
0x15f: {  	v3 =	vor.u32 v7, v1;
	v2 =	vld.idx.msk [tilespmem:v4+s20+$0x0], $0xffff;
	_ =	sdelay $0x4  }
0x160: {  	v0 =	vor.u32 v8, v0;
	[tilespmem:v3+s21+$0x0] =	vst.idx.msk $0xffff, v2;
	v2 =	vld [tilespmem:$0x1FFD0];
	_ =	sdelay $0x4  }
0x161: {  	s31 =	sshll.u32 s18, $0xF;
	s18 =	sadd.s32 $0x1, s18;
	v0 =	vld.idx.msk [tilespmem:v0+s20+$0x0], $0xffff;
	v1 =	vor.u32 v2, v1  }
0x162: {  	p0 =	sne.s32 s18, $0x32  }
.Ltmp1:
0x163: {  	_ = 	snop;
	(pc) =	sbr.rel @p0 .LBB2_2-.Ltmp1, $4  }
0x164: {  	_ = 	snop  }
0x165: {  	v28 =	vmov v30;
	v30 =	vmov v32;
	v32 =	vmov v34  }
0x166: {  	v34 =	vmovc v36;
	v36 =	vmovc v38;
	v38 =	vmov v40;
	v40 =	vmov v42;
	s20 =	sadd.s32 s31, s5;
	[tilespmem:v1+s21+$0x0] =	vst.idx.msk $0xffff, v0;
	v1 =	vmov v9  }
0x167: {  	v42 =	vmovc v44;
	v5 =	vlaneseq.u32;
	v4 =	vmovc v6;
	v6 =	vld [tilespmem:$0x1FFE0];
	v9 =	vmov v12;
	[hbm4b:s20+s12] =	stream.strided.scatter [tilespmem:s21], [sflag:s19], $0x2000, s13, s12, $0x38;
	v7 =	vmov v1  }
0x168: {  	_ =	swait.ge [sflag:s14], $0x2000  }
0x169: {  	[sflag:s14] =	ssyncset.done $0x0  }
0x16a: {  	s17 =	sadd.s32 $0x1, s17;
	[sflag:s14] =	ssyncadd.s32 $0xFFFFE000  }
0x16b: {  	p0 =	sne.s32 s17, s6;
	_ =	swait.ge [sflag:s15], $0x2000  }
.Ltmp2:
0x16c: {  	[sflag:s15] =	ssyncset.done $0x0;
	(pc) =	sbr.rel @p0 .LBB2_1-.Ltmp2, $4  }
0x16d: {  	[sflag:s15] =	ssyncadd.s32 $0xFFFFE000  }
0x16e: {  	_ =	swait.ge [sflag:s16], $0x2000  }
0x16f: {  	[sflag:s16] =	ssyncset.done $0x0  }
0x170: {  	[sflag:s16] =	ssyncadd.s32 $0xFFFFE000  }
0x171: {  	_ =	sfence.sel $0x180000  }
0x172: {  	[bflag:$0x0] =	sbarrier.arrive $0xFFFF  }
0x173: {  	p0 =	sne.s32 s1, $0x0;
	_ =	strace $0x90000047  }
0x174: {  	s0 =	sadd.s32 @!p0 $0x100000, s0;
	[bflag:$0x2] =	sbarrier.arrive $0xFFFF  }
0x175: {  	[sflag:s0] =	ssyncadd.tile.s32 @!p0 $0x1;
	_ =	shalt  }
.Lfunc_end2:
_tile_overlayer_lowered:
.L_overlay_start_2:
0x176: {  	(tag) =	ssettag $0x2  }
0x177: {  	s0 =	rddreg [dreg:$0x0];
	s2 =	stileid.u32  }
0x178: {  	s1 =	rddreg [dreg:$0x1];
	p0 =	sne.s32 s2, $0x0  }
0x179: {  	s3 =	rddreg [dreg:$0x2];
	[bflag:$0x3] =	sbarrier.arrive $0xFFFF;
	s2 =	simm.s32 @!p0 $0x1C07  }
0x17a: {  	[timem:s3], [sflag:s2] =	dma.local @!p0 [hbm:s0], s1  }
0x17b: {  	s0 =	simm.s32 @!p0 $0x7  }
0x17c: {  	_ =	swait.ge @!p0 [sflag:s0], s1  }
0x17d: {  	s1 =	ssub.s32 @!p0 $0x0, s1;
	[sflag:s0] =	ssyncset.done @!p0 $0x0  }
0x17e: {  	[sflag:s0] =	ssyncadd.s32 @!p0 s1  }
0x17f: {  	[bflag:$0x3] =	sbarrier.arrive $0xFFFF  }
0x180: {  	_ =	shalt  }

</sc_bundles>
